<compile_context>
chip_gen: v7x
topology: tpu7x:2x2x1
jax: 0.10.2.dev20260603
libtpu: 0.0.44.dev20260713+nightly
codegen_flags: <defaults>
</compile_context>

<pallas_src>
import functools

import jax
import jax.numpy as jnp
from jax import lax
from jax.experimental import pallas as pl
from jax.experimental.pallas import tpu as pltpu
from jax.experimental.pallas import tpu_sc as plsc

N = 10000
E = 320000
D_IN = 128
D_HID = 128
D_OUT = 40
DP3 = 48
DH = D_HID // 2

NC = 2
NS = 16
CH = 128
K = 80
KF = NC * K
E_PAD = NC * NS * K * CH
N_PAD = 10240
ROWS_PER_TILE = N_PAD // NS
DW = 16

_mesh = plsc.VectorSubcoreMesh(core_axis_name="c", subcore_axis_name="s")


def _zero_rows(buf, nrows, width):
    def body(i, _):
        for k in range(width // 16):
            buf[i, pl.ds(k * 16, 16)] = jnp.zeros((16,), jnp.float32)
        return 0
    lax.fori_loop(0, nrows, body, 0)


@functools.partial(
    pl.kernel,
    out_type=jax.ShapeDtypeStruct((NC, N_PAD, DW), jnp.float32),
    mesh=_mesh,
    compiler_params=pltpu.CompilerParams(use_tc_tiling_on_sc=False),
    scratch_types=[
        pltpu.VMEM((K, CH), jnp.int32),
        pltpu.VMEM((CH, DW), jnp.float32),
        pltpu.VMEM((CH, DW), jnp.float32),
        pltpu.VMEM_SHARED((N_PAD, DW), jnp.float32),
    ],
)
def _deg_kernel(col_hbm, out_hbm, col_v, ones_v, zero_v, acc):
    c = lax.axis_index("c")
    s = lax.axis_index("s")
    pltpu.sync_copy(col_hbm.at[c, s], col_v)

    def fill(i, _):
        ones_v[i, :] = jnp.ones((DW,), jnp.float32)
        zero_v[i, :] = jnp.zeros((DW,), jnp.float32)
        return 0
    lax.fori_loop(0, CH, fill, 0)

    base = s * ROWS_PER_TILE
    for t in range(ROWS_PER_TILE // CH):
        pltpu.sync_copy(zero_v, acc.at[pl.ds(base + t * CH, CH)])
    plsc.subcore_barrier()

    def body(j, _):
        pltpu.sync_copy(ones_v, acc.at[col_v.at[j]], add=True)
        return 0
    lax.fori_loop(0, K, body, 0)
    plsc.subcore_barrier()

    pltpu.sync_copy(acc.at[pl.ds(base, ROWS_PER_TILE)],
                    out_hbm.at[c, pl.ds(base, ROWS_PER_TILE)])


G = 2
SCH = 40


def _pipeline(y_hbm, row_v, col_v, bufs, acc, sems, nchunks):
    for b in range(G):
        pltpu.async_copy(y_hbm.at[row_v.at[b]], bufs[b], sems[b])

    def body(jj, _):
        j = jj * G
        for b in range(G):
            pltpu.make_async_copy(
                y_hbm.at[row_v.at[j + b]], bufs[b], sems[b]).wait()
            pltpu.sync_copy(bufs[b], acc.at[col_v.at[j + b]], add=True)

            @pl.when(j + G + b < nchunks)
            def _():
                pltpu.async_copy(
                    y_hbm.at[row_v.at[j + G + b]], bufs[b], sems[b])

        return 0

    lax.fori_loop(0, nchunks // G, body, 0)


@functools.partial(
    pl.kernel,
    out_type=jax.ShapeDtypeStruct((NC, N_PAD, DH), jnp.float32),
    mesh=_mesh,
    compiler_params=pltpu.CompilerParams(use_tc_tiling_on_sc=False),
    scratch_types=[
        [pltpu.VMEM((SCH, CH), jnp.int32) for _ in range(2)],
        [pltpu.VMEM((SCH, CH), jnp.int32) for _ in range(2)],
        [pltpu.VMEM((CH, DH), jnp.float32) for _ in range(G)],
        pltpu.VMEM_SHARED((N_PAD, DH), jnp.float32),
        pltpu.VMEM_SHARED((N, DH), jnp.float32),
        [pltpu.SemaphoreType.DMA for _ in range(G)],
        pltpu.SemaphoreType.DMA,
    ],
)
def _agg_feat(y_hbm, row_hbm, col_hbm, out_hbm, ridx, cidx, bufs, acc,
              ystage, sems, isem):
    c = lax.axis_index("c")
    s = lax.axis_index("s")
    nsc = KF // SCH

    pltpu.sync_copy(row_hbm.at[0, s, pl.ds(0, SCH)], ridx[0])
    pltpu.sync_copy(col_hbm.at[0, s, pl.ds(0, SCH)], cidx[0])
    pltpu.sync_copy(y_hbm.at[c, pl.ds(s * (N // NS), N // NS)],
                    ystage.at[pl.ds(s * (N // NS), N // NS)])
    _zero_rows(bufs[0], CH, DH)
    base = s * ROWS_PER_TILE
    for t in range(ROWS_PER_TILE // CH):
        pltpu.sync_copy(bufs[0], acc.at[pl.ds(base + t * CH, CH)])
    plsc.subcore_barrier()

    for m in range(nsc):
        if m + 1 < nsc:
            slot, off = divmod(m + 1, nsc // NC)
            pltpu.async_copy(
                row_hbm.at[slot, s, pl.ds(off * SCH, SCH)],
                ridx[(m + 1) % 2], isem)
            pltpu.async_copy(
                col_hbm.at[slot, s, pl.ds(off * SCH, SCH)],
                cidx[(m + 1) % 2], isem)
        _pipeline(ystage, ridx[m % 2], cidx[m % 2], bufs, acc, sems, SCH)
        if m + 1 < nsc:
            slot, off = divmod(m + 1, nsc // NC)
            pltpu.make_async_copy(
                row_hbm.at[slot, s, pl.ds(off * SCH, SCH)],
                ridx[(m + 1) % 2], isem).wait()
            pltpu.make_async_copy(
                col_hbm.at[slot, s, pl.ds(off * SCH, SCH)],
                cidx[(m + 1) % 2], isem).wait()

    plsc.subcore_barrier()
    pltpu.sync_copy(acc.at[pl.ds(base, ROWS_PER_TILE)],
                    out_hbm.at[c, pl.ds(base, ROWS_PER_TILE)])



_BM = 400


def _mm1_body(deg_ref, x_ref, w_ref, y_ref, d_ref):
    deg = deg_ref[0][:, 0:1] + deg_ref[1][:, 0:1] + 1.0
    d = lax.rsqrt(deg)
    d_ref[...] = d
    y = d * jnp.dot(x_ref[...], w_ref[...], preferred_element_type=jnp.float32)
    y_ref[0] = y[:, :DH]
    y_ref[1] = y[:, DH:]


def _tc_first(deg, x, w1):
    return pl.pallas_call(
        _mm1_body,
        grid=(N // _BM,),
        in_specs=[
            pl.BlockSpec((NC, _BM, DW), lambda i: (0, i, 0)),
            pl.BlockSpec((_BM, D_IN), lambda i: (i, 0)),
            pl.BlockSpec((D_IN, D_HID), lambda i: (0, 0)),
        ],
        out_specs=[
            pl.BlockSpec((NC, _BM, DH), lambda i: (0, i, 0)),
            pl.BlockSpec((_BM, 1), lambda i: (i, 0)),
        ],
        out_shape=[
            jax.ShapeDtypeStruct((NC, N, DH), jnp.float32),
            jax.ShapeDtypeStruct((N, 1), jnp.float32),
        ],
    )(deg, x, w1)


def _layer_body(split_out, z_ref, y_ref, d_ref, b_ref, w_ref, o_ref):
    d = d_ref[...]
    h = jnp.concatenate([z_ref[0] + y_ref[0], z_ref[1] + y_ref[1]], axis=1)
    h = jnp.maximum(d * h + b_ref[...], 0.0)
    y = d * jnp.dot(h, w_ref[...], preferred_element_type=jnp.float32)
    if split_out:
        o_ref[0] = y[:, :DH]
        o_ref[1] = y[:, DH:]
    else:
        o_ref[...] = y


def _tc_layer(z, y, dinv, b, w, split_out):
    d_out = w.shape[1]
    if split_out:
        out_spec = pl.BlockSpec((NC, _BM, DH), lambda i: (0, i, 0))
        out_shape = jax.ShapeDtypeStruct((NC, N, DH), jnp.float32)
    else:
        out_spec = pl.BlockSpec((_BM, d_out), lambda i: (i, 0))
        out_shape = jax.ShapeDtypeStruct((N, d_out), jnp.float32)
    return pl.pallas_call(
        functools.partial(_layer_body, split_out),
        grid=(N // _BM,),
        in_specs=[
            pl.BlockSpec((NC, _BM, DH), lambda i: (0, i, 0)),
            pl.BlockSpec((NC, _BM, DH), lambda i: (0, i, 0)),
            pl.BlockSpec((_BM, 1), lambda i: (i, 0)),
            pl.BlockSpec((1, D_HID), lambda i: (0, 0)),
            pl.BlockSpec((D_HID, d_out), lambda i: (0, 0)),
        ],
        out_specs=out_spec,
        out_shape=out_shape,
    )(z, y, dinv, b.reshape(1, D_HID), w)


def _final_body(z_ref, y_ref, d_ref, b_ref, o_ref):
    t = d_ref[...] * (z_ref[0, 0] + y_ref[0, 0]) + b_ref[...]
    mask = jax.lax.broadcasted_iota(jnp.int32, t.shape, 1) < D_OUT
    t = jnp.where(mask, t, -1e30)
    m = jnp.max(t, axis=1, keepdims=True)
    e = jnp.exp(t - m)
    o_ref[...] = (t - m) - jnp.log(jnp.sum(e, axis=1, keepdims=True))


def _tc_final(zs, ys, dinv, b):
    nst = zs.shape[0]
    return pl.pallas_call(
        _final_body,
        grid=(N // _BM,),
        in_specs=[
            pl.BlockSpec((1, 1, _BM, DH), lambda i: (nst - 1, 0, i, 0)),
            pl.BlockSpec((1, 1, _BM, DH), lambda i: (nst - 1, 0, i, 0)),
            pl.BlockSpec((_BM, 1), lambda i: (i, 0)),
            pl.BlockSpec((1, DH), lambda i: (0, 0)),
        ],
        out_specs=pl.BlockSpec((_BM, DH), lambda i: (i, 0)),
        out_shape=jax.ShapeDtypeStruct((N, DH), jnp.float32),
    )(zs, ys, dinv, b.reshape(1, DH))[:, :D_OUT]


def kernel(x, edge_index, W1, b1, W2, b2, W3, b3):
    row = edge_index[0]
    col = edge_index[1]
    npad = E_PAD - E
    rowp = jnp.concatenate([row, jnp.zeros((npad,), jnp.int32)])
    colp = jnp.concatenate([col, jnp.full((npad,), N, jnp.int32)])
    row4 = rowp.reshape(NC, NS, K, CH)
    col4 = colp.reshape(NC, NS, K, CH)

    deg = _deg_kernel(col4)
    y1, dinv = _tc_first(deg, x, W1)

    w3p128 = jnp.pad(W3, ((0, 0), (0, D_HID - D_OUT)))
    ws = jnp.stack([W2, w3p128, jnp.zeros_like(W2)])
    bs = jnp.stack([b1, b2, jnp.zeros_like(b1)])

    def step(y, wb):
        w, b = wb
        z = _agg_feat(y, row4, col4)
        return _tc_layer(z, y, dinv, b, w, split_out=True), (y, z)

    _, (ys, zs) = lax.scan(step, y1, (ws, bs))

    b3p = jnp.pad(b3, (0, DH - D_OUT))
    return _tc_final(zs, ys, dinv, b3p)

# --- scband reference (transcript-rebuilt; emitter-appended) ---
"""Pipeline reference for scband-gcn-61864708931711 (READ-ONLY COPY).

The authoritative reference and input builder live on the scoring server;
editing this copy changes nothing except your own understanding.
"""

import jax, jax.numpy as jnp
import numpy as np

N = 10000
E = 320000
D_IN = 128
D_HID = 128
D_OUT = 40

def setup_inputs(seed: int = 0):
    key = jax.random.key(seed)
    ks = jax.random.split(key, 8)
    x = jax.random.normal(ks[0], (N, D_IN), dtype=jnp.float32)
    edge_index = jax.random.randint(ks[1], (2, E), 0, N, dtype=jnp.int32)
    def glorot(k, fan_in, fan_out):
        lim = np.sqrt(6.0 / (fan_in + fan_out))
        return jax.random.uniform(k, (fan_in, fan_out), jnp.float32, -lim, lim)
    W1 = glorot(ks[2], D_IN, D_HID)
    b1 = jnp.zeros((D_HID,), jnp.float32)
    W2 = glorot(ks[3], D_HID, D_HID)
    b2 = jnp.zeros((D_HID,), jnp.float32)
    W3 = glorot(ks[4], D_HID, D_OUT)
    b3 = jnp.zeros((D_OUT,), jnp.float32)
    return {"x": x, "edge_index": edge_index, "W1": W1, "b1": b1, "W2": W2, "b2": b2, "W3": W3, "b3": b3}

def _gcn_conv(x, edge_index, W, b, num_nodes):
    # PyG GCNConv: add self-loops, symmetric normalization, linear, scatter-add aggregate
    loop = jnp.arange(num_nodes, dtype=edge_index.dtype)
    row = jnp.concatenate([edge_index[0], loop])  # source
    col = jnp.concatenate([edge_index[1], loop])  # target
    ones = jnp.ones(row.shape[0], dtype=x.dtype)
    deg = jax.ops.segment_sum(ones, col, num_segments=num_nodes)
    deg_inv_sqrt = jnp.where(deg > 0, 1.0 / jnp.sqrt(deg), 0.0)
    norm = deg_inv_sqrt[row] * deg_inv_sqrt[col]
    xw = x @ W
    msgs = norm[:, None] * jnp.take(xw, row, axis=0)
    out = jax.ops.segment_sum(msgs, col, num_segments=num_nodes)
    return out + b

def reference(x, edge_index, W1, b1, W2, b2, W3, b3):
    h = jax.nn.relu(_gcn_conv(x, edge_index, W1, b1, N))
    h = jax.nn.relu(_gcn_conv(h, edge_index, W2, b2, N))
    h = _gcn_conv(h, edge_index, W3, b3, N)
    return jax.nn.log_softmax(h, axis=1)

if __name__ == "__main__":
    import jax
    _d = setup_inputs()
    print(jax.jit(kernel)(*tuple(_d.values())))

</pallas_src>

<mosaic_0001>
#map = affine_map<(d0, d1) -> (0, 0, 0)>
#map1 = affine_map<(d0, d1) -> (0, 0, 0, 0)>
module attributes {stable_mosaic.version = 14 : i64} {
  func.func @_agg_feat(%arg0: i32, %arg1: i32, %arg2: memref<2x10000x64xf32, #tpu.memory_space<hbm>>, %arg3: memref<2x16x80x128xi32, #tpu.memory_space<hbm>>, %arg4: memref<2x16x80x128xi32, #tpu.memory_space<hbm>>, %arg5: memref<2x10240x64xf32, #tpu.memory_space<hbm>>, %arg6: memref<40x128xi32, #tpu.memory_space<vmem>>, %arg7: memref<40x128xi32, #tpu.memory_space<vmem>>, %arg8: memref<40x128xi32, #tpu.memory_space<vmem>>, %arg9: memref<40x128xi32, #tpu.memory_space<vmem>>, %arg10: memref<128x64xf32, #tpu.memory_space<vmem>>, %arg11: memref<128x64xf32, #tpu.memory_space<vmem>>, %arg12: memref<10240x64xf32, #tpu.memory_space<vmem_shared>>, %arg13: memref<10000x64xf32, #tpu.memory_space<vmem_shared>>, %arg14: memref<!tpu.dma_semaphore, #tpu.memory_space<semaphore_mem>>, %arg15: memref<!tpu.dma_semaphore, #tpu.memory_space<semaphore_mem>>, %arg16: memref<!tpu.dma_semaphore, #tpu.memory_space<semaphore_mem>>) attributes {dimension_semantics = [#tpu.dimension_semantics<core_parallel>, #tpu.dimension_semantics<subcore_parallel>], iteration_bounds = array<i64: 2, 16>, scalar_prefetch = 0 : i64, scratch_operands = 11 : i64, tpu.core_type = #tpu.core_type<sc_vector_subcore>, window_params = [{transform_indices = #map}, {transform_indices = #map1}, {transform_indices = #map1}, {transform_indices = #map}]} {
    %run_scoped3A = arith.constant 0 : i32
    "tpu.region"() ({
      %run_scoped3A_212 = tpu.sem_alloc : memref<!tpu.dma_semaphore, #tpu.memory_space<semaphore_mem>>
      %dma_start3A_213 = arith.constant 0 : i32
      %dma_start3A_214 = arith.constant 0 : i32
      %dma_start3A_215 = tpu.memref_slice %arg3[%run_scoped3A, %arg1, %dma_start3A_213, %dma_start3A_214] : memref<2x16x80x128xi32, #tpu.memory_space<hbm>> -> memref<1x1x40x128xi32, #tpu.memory_space<hbm>>
      %dma_start3A_216 = tpu.memref_squeeze %dma_start3A_215 : memref<1x1x40x128xi32, #tpu.memory_space<hbm>> -> memref<40x128xi32, #tpu.memory_space<hbm>>
      %dma_start3A_217 = arith.constant 0 : i32
      %dma_start3A_218 = arith.constant 0 : i32
      %dma_start3A_219 = tpu.memref_slice %arg3[%run_scoped3A, %arg1, %dma_start3A_217, %dma_start3A_218] : memref<2x16x80x128xi32, #tpu.memory_space<hbm>> -> memref<1x1x40x128xi32, #tpu.memory_space<hbm>>
      %dma_start3A_220 = tpu.memref_squeeze %dma_start3A_219 : memref<1x1x40x128xi32, #tpu.memory_space<hbm>> -> memref<40x128xi32, #tpu.memory_space<hbm>>
      tpu.enqueue_dma source(%dma_start3A_220 : memref<40x128xi32, #tpu.memory_space<hbm>>) target(%arg6 : memref<40x128xi32, #tpu.memory_space<vmem>>) target_semaphore(%run_scoped3A_212 : memref<!tpu.dma_semaphore, #tpu.memory_space<semaphore_mem>>)
      %dma_wait3A_221 = arith.constant 0 : i32
      %dma_wait3A_222 = arith.constant 0 : i32
      %dma_wait3A_223 = tpu.memref_slice %arg3[%run_scoped3A, %arg1, %dma_wait3A_221, %dma_wait3A_222] : memref<2x16x80x128xi32, #tpu.memory_space<hbm>> -> memref<1x1x40x128xi32, #tpu.memory_space<hbm>>
      %dma_wait3A_224 = tpu.memref_squeeze %dma_wait3A_223 : memref<1x1x40x128xi32, #tpu.memory_space<hbm>> -> memref<40x128xi32, #tpu.memory_space<hbm>>
      %dma_wait3A_225 = arith.constant 0 : i32
      %dma_wait3A_226 = arith.constant 0 : i32
      %dma_wait3A_227 = tpu.memref_slice %arg3[%run_scoped3A, %arg1, %dma_wait3A_225, %dma_wait3A_226] : memref<2x16x80x128xi32, #tpu.memory_space<hbm>> -> memref<1x1x40x128xi32, #tpu.memory_space<hbm>>
      %dma_wait3A_228 = tpu.memref_squeeze %dma_wait3A_227 : memref<1x1x40x128xi32, #tpu.memory_space<hbm>> -> memref<40x128xi32, #tpu.memory_space<hbm>>
      tpu.wait_dma2 semaphore(%run_scoped3A_212 : memref<!tpu.dma_semaphore, #tpu.memory_space<semaphore_mem>>) src(%dma_wait3A_228 : memref<40x128xi32, #tpu.memory_space<hbm>>) dst(%arg6 : memref<40x128xi32, #tpu.memory_space<vmem>>)
      tpu.yield
    }) : () -> ()
    %run_scoped3A_0 = arith.constant 0 : i32
    "tpu.region"() ({
      %run_scoped3A_212 = tpu.sem_alloc : memref<!tpu.dma_semaphore, #tpu.memory_space<semaphore_mem>>
      %dma_start3A_213 = arith.constant 0 : i32
      %dma_start3A_214 = arith.constant 0 : i32
      %dma_start3A_215 = tpu.memref_slice %arg4[%run_scoped3A_0, %arg1, %dma_start3A_213, %dma_start3A_214] : memref<2x16x80x128xi32, #tpu.memory_space<hbm>> -> memref<1x1x40x128xi32, #tpu.memory_space<hbm>>
      %dma_start3A_216 = tpu.memref_squeeze %dma_start3A_215 : memref<1x1x40x128xi32, #tpu.memory_space<hbm>> -> memref<40x128xi32, #tpu.memory_space<hbm>>
      %dma_start3A_217 = arith.constant 0 : i32
      %dma_start3A_218 = arith.constant 0 : i32
      %dma_start3A_219 = tpu.memref_slice %arg4[%run_scoped3A_0, %arg1, %dma_start3A_217, %dma_start3A_218] : memref<2x16x80x128xi32, #tpu.memory_space<hbm>> -> memref<1x1x40x128xi32, #tpu.memory_space<hbm>>
      %dma_start3A_220 = tpu.memref_squeeze %dma_start3A_219 : memref<1x1x40x128xi32, #tpu.memory_space<hbm>> -> memref<40x128xi32, #tpu.memory_space<hbm>>
      tpu.enqueue_dma source(%dma_start3A_220 : memref<40x128xi32, #tpu.memory_space<hbm>>) target(%arg8 : memref<40x128xi32, #tpu.memory_space<vmem>>) target_semaphore(%run_scoped3A_212 : memref<!tpu.dma_semaphore, #tpu.memory_space<semaphore_mem>>)
      %dma_wait3A_221 = arith.constant 0 : i32
      %dma_wait3A_222 = arith.constant 0 : i32
      %dma_wait3A_223 = tpu.memref_slice %arg4[%run_scoped3A_0, %arg1, %dma_wait3A_221, %dma_wait3A_222] : memref<2x16x80x128xi32, #tpu.memory_space<hbm>> -> memref<1x1x40x128xi32, #tpu.memory_space<hbm>>
      %dma_wait3A_224 = tpu.memref_squeeze %dma_wait3A_223 : memref<1x1x40x128xi32, #tpu.memory_space<hbm>> -> memref<40x128xi32, #tpu.memory_space<hbm>>
      %dma_wait3A_225 = arith.constant 0 : i32
      %dma_wait3A_226 = arith.constant 0 : i32
      %dma_wait3A_227 = tpu.memref_slice %arg4[%run_scoped3A_0, %arg1, %dma_wait3A_225, %dma_wait3A_226] : memref<2x16x80x128xi32, #tpu.memory_space<hbm>> -> memref<1x1x40x128xi32, #tpu.memory_space<hbm>>
      %dma_wait3A_228 = tpu.memref_squeeze %dma_wait3A_227 : memref<1x1x40x128xi32, #tpu.memory_space<hbm>> -> memref<40x128xi32, #tpu.memory_space<hbm>>
      tpu.wait_dma2 semaphore(%run_scoped3A_212 : memref<!tpu.dma_semaphore, #tpu.memory_space<semaphore_mem>>) src(%dma_wait3A_228 : memref<40x128xi32, #tpu.memory_space<hbm>>) dst(%arg8 : memref<40x128xi32, #tpu.memory_space<vmem>>)
      tpu.yield
    }) : () -> ()
    %mul3A = arith.constant 625 : i32
    %mul3A_1 = arith.muli %arg1, %mul3A : i32
    %mul3A_2 = arith.constant 625 : i32
    %mul3A_3 = arith.muli %arg1, %mul3A_2 : i32
    "tpu.region"() ({
      %run_scoped3A_212 = tpu.sem_alloc : memref<!tpu.dma_semaphore, #tpu.memory_space<semaphore_mem>>
      %dma_start3A_213 = arith.constant 0 : i32
      %dma_start3A_214 = tpu.memref_slice %arg13[%mul3A_3, %dma_start3A_213] : memref<10000x64xf32, #tpu.memory_space<vmem_shared>> -> memref<625x64xf32, #tpu.memory_space<vmem_shared>>
      %dma_start3A_215 = arith.constant 0 : i32
      %dma_start3A_216 = tpu.memref_slice %arg2[%arg0, %mul3A_1, %dma_start3A_215] : memref<2x10000x64xf32, #tpu.memory_space<hbm>> -> memref<1x625x64xf32, #tpu.memory_space<hbm>>
      %dma_start3A_217 = tpu.memref_squeeze %dma_start3A_216 : memref<1x625x64xf32, #tpu.memory_space<hbm>> -> memref<625x64xf32, #tpu.memory_space<hbm>>
      tpu.enqueue_dma source(%dma_start3A_217 : memref<625x64xf32, #tpu.memory_space<hbm>>) target(%dma_start3A_214 : memref<625x64xf32, #tpu.memory_space<vmem_shared>>) target_semaphore(%run_scoped3A_212 : memref<!tpu.dma_semaphore, #tpu.memory_space<semaphore_mem>>)
      %dma_wait3A_218 = arith.constant 0 : i32
      %dma_wait3A_219 = tpu.memref_slice %arg13[%mul3A_3, %dma_wait3A_218] : memref<10000x64xf32, #tpu.memory_space<vmem_shared>> -> memref<625x64xf32, #tpu.memory_space<vmem_shared>>
      %dma_wait3A_220 = arith.constant 0 : i32
      %dma_wait3A_221 = tpu.memref_slice %arg2[%arg0, %mul3A_1, %dma_wait3A_220] : memref<2x10000x64xf32, #tpu.memory_space<hbm>> -> memref<1x625x64xf32, #tpu.memory_space<hbm>>
      %dma_wait3A_222 = tpu.memref_squeeze %dma_wait3A_221 : memref<1x625x64xf32, #tpu.memory_space<hbm>> -> memref<625x64xf32, #tpu.memory_space<hbm>>
      tpu.wait_dma2 semaphore(%run_scoped3A_212 : memref<!tpu.dma_semaphore, #tpu.memory_space<semaphore_mem>>) src(%dma_wait3A_222 : memref<625x64xf32, #tpu.memory_space<hbm>>) dst(%dma_wait3A_219 : memref<625x64xf32, #tpu.memory_space<vmem_shared>>)
      tpu.yield
    }) : () -> ()
    %scan3A = arith.constant 0 : i32
    %scan3A_4 = arith.constant 0 : i32
    %scan3A_5 = arith.constant 128 : i32
    %scan3A_6 = arith.addi %scan3A_4, %scan3A_5 : i32
    %scan3A_7 = arith.constant 1 : i32
    %scan3A_8 = scf.for %scan3A_212 = %scan3A_4 to %scan3A_6 step %scan3A_7 iter_args(%scan3A_213 = %scan3A) -> (i32)  : i32 {
      %broadcast_in_dim3A = arith.constant 0.000000e+00 : f32
      %broadcast_in_dim3A_214 = vector.broadcast %broadcast_in_dim3A : f32 to vector<16xf32>
      %swap3A = arith.index_cast %scan3A_212 : i32 to index
      %swap3A_215 = arith.constant 0 : index
      %swap3A_216 = tpu.vector_load %arg10[%swap3A, %swap3A_215] {strides = array<i32>} : memref<128x64xf32, #tpu.memory_space<vmem>>, vector<1x16xf32>,
      %swap3A_217 = vector.shape_cast %swap3A_216 : vector<1x16xf32> to vector<16xf32>
      %swap3A_218 = vector.shape_cast %broadcast_in_dim3A_214 : vector<16xf32> to vector<1x16xf32>
      tpu.vector_store %arg10[%swap3A, %swap3A_215], %swap3A_218 {strides = array<i32>} : memref<128x64xf32, #tpu.memory_space<vmem>>, vector<1x16xf32>,
      %broadcast_in_dim3A_219 = arith.constant 0.000000e+00 : f32
      %broadcast_in_dim3A_220 = vector.broadcast %broadcast_in_dim3A_219 : f32 to vector<16xf32>
      %swap3A_221 = arith.index_cast %scan3A_212 : i32 to index
      %swap3A_222 = arith.constant 16 : index
      %swap3A_223 = tpu.vector_load %arg10[%swap3A_221, %swap3A_222] {strides = array<i32>} : memref<128x64xf32, #tpu.memory_space<vmem>>, vector<1x16xf32>,
      %swap3A_224 = vector.shape_cast %swap3A_223 : vector<1x16xf32> to vector<16xf32>
      %swap3A_225 = vector.shape_cast %broadcast_in_dim3A_220 : vector<16xf32> to vector<1x16xf32>
      tpu.vector_store %arg10[%swap3A_221, %swap3A_222], %swap3A_225 {strides = array<i32>} : memref<128x64xf32, #tpu.memory_space<vmem>>, vector<1x16xf32>,
      %broadcast_in_dim3A_226 = arith.constant 0.000000e+00 : f32
      %broadcast_in_dim3A_227 = vector.broadcast %broadcast_in_dim3A_226 : f32 to vector<16xf32>
      %swap3A_228 = arith.index_cast %scan3A_212 : i32 to index
      %swap3A_229 = arith.constant 32 : index
      %swap3A_230 = tpu.vector_load %arg10[%swap3A_228, %swap3A_229] {strides = array<i32>} : memref<128x64xf32, #tpu.memory_space<vmem>>, vector<1x16xf32>,
      %swap3A_231 = vector.shape_cast %swap3A_230 : vector<1x16xf32> to vector<16xf32>
      %swap3A_232 = vector.shape_cast %broadcast_in_dim3A_227 : vector<16xf32> to vector<1x16xf32>
      tpu.vector_store %arg10[%swap3A_228, %swap3A_229], %swap3A_232 {strides = array<i32>} : memref<128x64xf32, #tpu.memory_space<vmem>>, vector<1x16xf32>,
      %broadcast_in_dim3A_233 = arith.constant 0.000000e+00 : f32
      %broadcast_in_dim3A_234 = vector.broadcast %broadcast_in_dim3A_233 : f32 to vector<16xf32>
      %swap3A_235 = arith.index_cast %scan3A_212 : i32 to index
      %swap3A_236 = arith.constant 48 : index
      %swap3A_237 = tpu.vector_load %arg10[%swap3A_235, %swap3A_236] {strides = array<i32>} : memref<128x64xf32, #tpu.memory_space<vmem>>, vector<1x16xf32>,
      %swap3A_238 = vector.shape_cast %swap3A_237 : vector<1x16xf32> to vector<16xf32>
      %swap3A_239 = vector.shape_cast %broadcast_in_dim3A_234 : vector<16xf32> to vector<1x16xf32>
      tpu.vector_store %arg10[%swap3A_235, %swap3A_236], %swap3A_239 {strides = array<i32>} : memref<128x64xf32, #tpu.memory_space<vmem>>, vector<1x16xf32>,
      %scan3A_240 = arith.constant 0 : i32
      scf.yield %scan3A_240 : i32
    }
    %scan3A_9 = arith.constant 128 : i32
    %mul3A_10 = arith.constant 640 : i32
    %mul3A_11 = arith.muli %arg1, %mul3A_10 : i32
    %add3A = arith.constant 0 : i32
    %add3A_12 = arith.addi %mul3A_11, %add3A : i32
    "tpu.region"() ({
      %run_scoped3A_212 = tpu.sem_alloc : memref<!tpu.dma_semaphore, #tpu.memory_space<semaphore_mem>>
      %dma_start3A_213 = arith.constant 0 : i32
      %dma_start3A_214 = tpu.memref_slice %arg12[%add3A_12, %dma_start3A_213] : memref<10240x64xf32, #tpu.memory_space<vmem_shared>> -> memref<128x64xf32, #tpu.memory_space<vmem_shared>>
      %dma_start3A_215 = arith.constant 0 : i32
      %dma_start3A_216 = tpu.memref_slice %arg12[%add3A_12, %dma_start3A_215] : memref<10240x64xf32, #tpu.memory_space<vmem_shared>> -> memref<128x64xf32, #tpu.memory_space<vmem_shared>>
      tpu.enqueue_dma source(%arg10 : memref<128x64xf32, #tpu.memory_space<vmem>>) target(%dma_start3A_216 : memref<128x64xf32, #tpu.memory_space<vmem_shared>>) target_semaphore(%run_scoped3A_212 : memref<!tpu.dma_semaphore, #tpu.memory_space<semaphore_mem>>)
      %dma_wait3A_217 = arith.constant 0 : i32
      %dma_wait3A_218 = tpu.memref_slice %arg12[%add3A_12, %dma_wait3A_217] : memref<10240x64xf32, #tpu.memory_space<vmem_shared>> -> memref<128x64xf32, #tpu.memory_space<vmem_shared>>
      %dma_wait3A_219 = arith.constant 0 : i32
      %dma_wait3A_220 = tpu.memref_slice %arg12[%add3A_12, %dma_wait3A_219] : memref<10240x64xf32, #tpu.memory_space<vmem_shared>> -> memref<128x64xf32, #tpu.memory_space<vmem_shared>>
      tpu.wait_dma2 semaphore(%run_scoped3A_212 : memref<!tpu.dma_semaphore, #tpu.memory_space<semaphore_mem>>) src(%arg10 : memref<128x64xf32, #tpu.memory_space<vmem>>) dst(%dma_wait3A_220 : memref<128x64xf32, #tpu.memory_space<vmem_shared>>)
      tpu.yield
    }) : () -> ()
    %add3A_13 = arith.constant 128 : i32
    %add3A_14 = arith.addi %mul3A_11, %add3A_13 : i32
    "tpu.region"() ({
      %run_scoped3A_212 = tpu.sem_alloc : memref<!tpu.dma_semaphore, #tpu.memory_space<semaphore_mem>>
      %dma_start3A_213 = arith.constant 0 : i32
      %dma_start3A_214 = tpu.memref_slice %arg12[%add3A_14, %dma_start3A_213] : memref<10240x64xf32, #tpu.memory_space<vmem_shared>> -> memref<128x64xf32, #tpu.memory_space<vmem_shared>>
      %dma_start3A_215 = arith.constant 0 : i32
      %dma_start3A_216 = tpu.memref_slice %arg12[%add3A_14, %dma_start3A_215] : memref<10240x64xf32, #tpu.memory_space<vmem_shared>> -> memref<128x64xf32, #tpu.memory_space<vmem_shared>>
      tpu.enqueue_dma source(%arg10 : memref<128x64xf32, #tpu.memory_space<vmem>>) target(%dma_start3A_216 : memref<128x64xf32, #tpu.memory_space<vmem_shared>>) target_semaphore(%run_scoped3A_212 : memref<!tpu.dma_semaphore, #tpu.memory_space<semaphore_mem>>)
      %dma_wait3A_217 = arith.constant 0 : i32
      %dma_wait3A_218 = tpu.memref_slice %arg12[%add3A_14, %dma_wait3A_217] : memref<10240x64xf32, #tpu.memory_space<vmem_shared>> -> memref<128x64xf32, #tpu.memory_space<vmem_shared>>
      %dma_wait3A_219 = arith.constant 0 : i32
      %dma_wait3A_220 = tpu.memref_slice %arg12[%add3A_14, %dma_wait3A_219] : memref<10240x64xf32, #tpu.memory_space<vmem_shared>> -> memref<128x64xf32, #tpu.memory_space<vmem_shared>>
      tpu.wait_dma2 semaphore(%run_scoped3A_212 : memref<!tpu.dma_semaphore, #tpu.memory_space<semaphore_mem>>) src(%arg10 : memref<128x64xf32, #tpu.memory_space<vmem>>) dst(%dma_wait3A_220 : memref<128x64xf32, #tpu.memory_space<vmem_shared>>)
      tpu.yield
    }) : () -> ()
    %add3A_15 = arith.constant 256 : i32
    %add3A_16 = arith.addi %mul3A_11, %add3A_15 : i32
    "tpu.region"() ({
      %run_scoped3A_212 = tpu.sem_alloc : memref<!tpu.dma_semaphore, #tpu.memory_space<semaphore_mem>>
      %dma_start3A_213 = arith.constant 0 : i32
      %dma_start3A_214 = tpu.memref_slice %arg12[%add3A_16, %dma_start3A_213] : memref<10240x64xf32, #tpu.memory_space<vmem_shared>> -> memref<128x64xf32, #tpu.memory_space<vmem_shared>>
      %dma_start3A_215 = arith.constant 0 : i32
      %dma_start3A_216 = tpu.memref_slice %arg12[%add3A_16, %dma_start3A_215] : memref<10240x64xf32, #tpu.memory_space<vmem_shared>> -> memref<128x64xf32, #tpu.memory_space<vmem_shared>>
      tpu.enqueue_dma source(%arg10 : memref<128x64xf32, #tpu.memory_space<vmem>>) target(%dma_start3A_216 : memref<128x64xf32, #tpu.memory_space<vmem_shared>>) target_semaphore(%run_scoped3A_212 : memref<!tpu.dma_semaphore, #tpu.memory_space<semaphore_mem>>)
      %dma_wait3A_217 = arith.constant 0 : i32
      %dma_wait3A_218 = tpu.memref_slice %arg12[%add3A_16, %dma_wait3A_217] : memref<10240x64xf32, #tpu.memory_space<vmem_shared>> -> memref<128x64xf32, #tpu.memory_space<vmem_shared>>
      %dma_wait3A_219 = arith.constant 0 : i32
      %dma_wait3A_220 = tpu.memref_slice %arg12[%add3A_16, %dma_wait3A_219] : memref<10240x64xf32, #tpu.memory_space<vmem_shared>> -> memref<128x64xf32, #tpu.memory_space<vmem_shared>>
      tpu.wait_dma2 semaphore(%run_scoped3A_212 : memref<!tpu.dma_semaphore, #tpu.memory_space<semaphore_mem>>) src(%arg10 : memref<128x64xf32, #tpu.memory_space<vmem>>) dst(%dma_wait3A_220 : memref<128x64xf32, #tpu.memory_space<vmem_shared>>)
      tpu.yield
    }) : () -> ()
    %add3A_17 = arith.constant 384 : i32
    %add3A_18 = arith.addi %mul3A_11, %add3A_17 : i32
    "tpu.region"() ({
      %run_scoped3A_212 = tpu.sem_alloc : memref<!tpu.dma_semaphore, #tpu.memory_space<semaphore_mem>>
      %dma_start3A_213 = arith.constant 0 : i32
      %dma_start3A_214 = tpu.memref_slice %arg12[%add3A_18, %dma_start3A_213] : memref<10240x64xf32, #tpu.memory_space<vmem_shared>> -> memref<128x64xf32, #tpu.memory_space<vmem_shared>>
      %dma_start3A_215 = arith.constant 0 : i32
      %dma_start3A_216 = tpu.memref_slice %arg12[%add3A_18, %dma_start3A_215] : memref<10240x64xf32, #tpu.memory_space<vmem_shared>> -> memref<128x64xf32, #tpu.memory_space<vmem_shared>>
      tpu.enqueue_dma source(%arg10 : memref<128x64xf32, #tpu.memory_space<vmem>>) target(%dma_start3A_216 : memref<128x64xf32, #tpu.memory_space<vmem_shared>>) target_semaphore(%run_scoped3A_212 : memref<!tpu.dma_semaphore, #tpu.memory_space<semaphore_mem>>)
      %dma_wait3A_217 = arith.constant 0 : i32
      %dma_wait3A_218 = tpu.memref_slice %arg12[%add3A_18, %dma_wait3A_217] : memref<10240x64xf32, #tpu.memory_space<vmem_shared>> -> memref<128x64xf32, #tpu.memory_space<vmem_shared>>
      %dma_wait3A_219 = arith.constant 0 : i32
      %dma_wait3A_220 = tpu.memref_slice %arg12[%add3A_18, %dma_wait3A_219] : memref<10240x64xf32, #tpu.memory_space<vmem_shared>> -> memref<128x64xf32, #tpu.memory_space<vmem_shared>>
      tpu.wait_dma2 semaphore(%run_scoped3A_212 : memref<!tpu.dma_semaphore, #tpu.memory_space<semaphore_mem>>) src(%arg10 : memref<128x64xf32, #tpu.memory_space<vmem>>) dst(%dma_wait3A_220 : memref<128x64xf32, #tpu.memory_space<vmem_shared>>)
      tpu.yield
    }) : () -> ()
    %add3A_19 = arith.constant 512 : i32
    %add3A_20 = arith.addi %mul3A_11, %add3A_19 : i32
    "tpu.region"() ({
      %run_scoped3A_212 = tpu.sem_alloc : memref<!tpu.dma_semaphore, #tpu.memory_space<semaphore_mem>>
      %dma_start3A_213 = arith.constant 0 : i32
      %dma_start3A_214 = tpu.memref_slice %arg12[%add3A_20, %dma_start3A_213] : memref<10240x64xf32, #tpu.memory_space<vmem_shared>> -> memref<128x64xf32, #tpu.memory_space<vmem_shared>>
      %dma_start3A_215 = arith.constant 0 : i32
      %dma_start3A_216 = tpu.memref_slice %arg12[%add3A_20, %dma_start3A_215] : memref<10240x64xf32, #tpu.memory_space<vmem_shared>> -> memref<128x64xf32, #tpu.memory_space<vmem_shared>>
      tpu.enqueue_dma source(%arg10 : memref<128x64xf32, #tpu.memory_space<vmem>>) target(%dma_start3A_216 : memref<128x64xf32, #tpu.memory_space<vmem_shared>>) target_semaphore(%run_scoped3A_212 : memref<!tpu.dma_semaphore, #tpu.memory_space<semaphore_mem>>)
      %dma_wait3A_217 = arith.constant 0 : i32
      %dma_wait3A_218 = tpu.memref_slice %arg12[%add3A_20, %dma_wait3A_217] : memref<10240x64xf32, #tpu.memory_space<vmem_shared>> -> memref<128x64xf32, #tpu.memory_space<vmem_shared>>
      %dma_wait3A_219 = arith.constant 0 : i32
      %dma_wait3A_220 = tpu.memref_slice %arg12[%add3A_20, %dma_wait3A_219] : memref<10240x64xf32, #tpu.memory_space<vmem_shared>> -> memref<128x64xf32, #tpu.memory_space<vmem_shared>>
      tpu.wait_dma2 semaphore(%run_scoped3A_212 : memref<!tpu.dma_semaphore, #tpu.memory_space<semaphore_mem>>) src(%arg10 : memref<128x64xf32, #tpu.memory_space<vmem>>) dst(%dma_wait3A_220 : memref<128x64xf32, #tpu.memory_space<vmem_shared>>)
      tpu.yield
    }) : () -> ()
    %barrier3A = arith.constant 0 : index
    tpu.barrier barrier_id(%barrier3A)
    %dma_start3A = arith.constant 0 : i32
    %dma_start3A_21 = arith.constant 40 : i32
    %dma_start3A_22 = arith.constant 0 : i32
    %dma_start3A_23 = tpu.memref_slice %arg3[%dma_start3A, %arg1, %dma_start3A_21, %dma_start3A_22] : memref<2x16x80x128xi32, #tpu.memory_space<hbm>> -> memref<1x1x40x128xi32, #tpu.memory_space<hbm>>
    %dma_start3A_24 = tpu.memref_squeeze %dma_start3A_23 : memref<1x1x40x128xi32, #tpu.memory_space<hbm>> -> memref<40x128xi32, #tpu.memory_space<hbm>>
    %dma_start3A_25 = arith.constant 40 : i32
    %dma_start3A_26 = arith.constant 0 : i32
    %dma_start3A_27 = tpu.memref_slice %arg3[%dma_start3A, %arg1, %dma_start3A_25, %dma_start3A_26] : memref<2x16x80x128xi32, #tpu.memory_space<hbm>> -> memref<1x1x40x128xi32, #tpu.memory_space<hbm>>
    %dma_start3A_28 = tpu.memref_squeeze %dma_start3A_27 : memref<1x1x40x128xi32, #tpu.memory_space<hbm>> -> memref<40x128xi32, #tpu.memory_space<hbm>>
    tpu.enqueue_dma source(%dma_start3A_28 : memref<40x128xi32, #tpu.memory_space<hbm>>) target(%arg7 : memref<40x128xi32, #tpu.memory_space<vmem>>) target_semaphore(%arg16 : memref<!tpu.dma_semaphore, #tpu.memory_space<semaphore_mem>>)
    %dma_start3A_29 = arith.constant 0 : i32
    %dma_start3A_30 = arith.constant 40 : i32
    %dma_start3A_31 = arith.constant 0 : i32
    %dma_start3A_32 = tpu.memref_slice %arg4[%dma_start3A_29, %arg1, %dma_start3A_30, %dma_start3A_31] : memref<2x16x80x128xi32, #tpu.memory_space<hbm>> -> memref<1x1x40x128xi32, #tpu.memory_space<hbm>>
    %dma_start3A_33 = tpu.memref_squeeze %dma_start3A_32 : memref<1x1x40x128xi32, #tpu.memory_space<hbm>> -> memref<40x128xi32, #tpu.memory_space<hbm>>
    %dma_start3A_34 = arith.constant 40 : i32
    %dma_start3A_35 = arith.constant 0 : i32
    %dma_start3A_36 = tpu.memref_slice %arg4[%dma_start3A_29, %arg1, %dma_start3A_34, %dma_start3A_35] : memref<2x16x80x128xi32, #tpu.memory_space<hbm>> -> memref<1x1x40x128xi32, #tpu.memory_space<hbm>>
    %dma_start3A_37 = tpu.memref_squeeze %dma_start3A_36 : memref<1x1x40x128xi32, #tpu.memory_space<hbm>> -> memref<40x128xi32, #tpu.memory_space<hbm>>
    tpu.enqueue_dma source(%dma_start3A_37 : memref<40x128xi32, #tpu.memory_space<hbm>>) target(%arg9 : memref<40x128xi32, #tpu.memory_space<vmem>>) target_semaphore(%arg16 : memref<!tpu.dma_semaphore, #tpu.memory_space<semaphore_mem>>)
    %dma_start3A_38 = arith.constant 0 : i32
    %dma_start3A_39 = arith.constant 0 : i32
    %dma_start3A_40 = tpu.memref_slice %arg6[%dma_start3A_38, %dma_start3A_39] : memref<40x128xi32, #tpu.memory_space<vmem>> -> memref<1x128xi32, #tpu.memory_space<vmem>>
    %dma_start3A_41 = tpu.memref_squeeze %dma_start3A_40 : memref<1x128xi32, #tpu.memory_space<vmem>> -> memref<128xi32, #tpu.memory_space<vmem>>
    %dma_start3A_42 = arith.constant 0 : i32
    %dma_start3A_43 = arith.constant 0 : i32
    %dma_start3A_44 = tpu.memref_slice %arg13[%dma_start3A_42, %dma_start3A_43] : memref<10000x64xf32, #tpu.memory_space<vmem_shared>> -> memref<10000x64xf32, #tpu.memory_space<vmem_shared>>
    tpu.enqueue_indirect_dma source(%dma_start3A_44 : memref<10000x64xf32, #tpu.memory_space<vmem_shared>>) target(%arg10 : memref<128x64xf32, #tpu.memory_space<vmem>>) offsets(%dma_start3A_41 : memref<128xi32, #tpu.memory_space<vmem>>) semaphore(%arg14 : memref<!tpu.dma_semaphore, #tpu.memory_space<semaphore_mem>>)
    %dma_start3A_45 = arith.constant 1 : i32
    %dma_start3A_46 = arith.constant 0 : i32
    %dma_start3A_47 = tpu.memref_slice %arg6[%dma_start3A_45, %dma_start3A_46] : memref<40x128xi32, #tpu.memory_space<vmem>> -> memref<1x128xi32, #tpu.memory_space<vmem>>
    %dma_start3A_48 = tpu.memref_squeeze %dma_start3A_47 : memref<1x128xi32, #tpu.memory_space<vmem>> -> memref<128xi32, #tpu.memory_space<vmem>>
    %dma_start3A_49 = arith.constant 0 : i32
    %dma_start3A_50 = arith.constant 0 : i32
    %dma_start3A_51 = tpu.memref_slice %arg13[%dma_start3A_49, %dma_start3A_50] : memref<10000x64xf32, #tpu.memory_space<vmem_shared>> -> memref<10000x64xf32, #tpu.memory_space<vmem_shared>>
    tpu.enqueue_indirect_dma source(%dma_start3A_51 : memref<10000x64xf32, #tpu.memory_space<vmem_shared>>) target(%arg11 : memref<128x64xf32, #tpu.memory_space<vmem>>) offsets(%dma_start3A_48 : memref<128xi32, #tpu.memory_space<vmem>>) semaphore(%arg15 : memref<!tpu.dma_semaphore, #tpu.memory_space<semaphore_mem>>)
    %scan3A_52 = arith.constant 0 : i32
    %scan3A_53 = arith.constant 0 : i32
    %scan3A_54 = arith.constant 20 : i32
    %scan3A_55 = arith.addi %scan3A_53, %scan3A_54 : i32
    %scan3A_56 = arith.constant 1 : i32
    %scan3A_57 = scf.for %scan3A_212 = %scan3A_53 to %scan3A_55 step %scan3A_56 iter_args(%scan3A_213 = %scan3A_52) -> (i32)  : i32 {
      %mul3A_214 = arith.constant 2 : i32
      %mul3A_215 = arith.muli %scan3A_212, %mul3A_214 : i32
      %add3A_216 = arith.constant 0 : i32
      %add3A_217 = arith.addi %mul3A_215, %add3A_216 : i32
      %dma_wait3A_218 = arith.constant 0 : i32
      %dma_wait3A_219 = tpu.memref_slice %arg6[%add3A_217, %dma_wait3A_218] : memref<40x128xi32, #tpu.memory_space<vmem>> -> memref<1x128xi32, #tpu.memory_space<vmem>>
      %dma_wait3A_220 = tpu.memref_squeeze %dma_wait3A_219 : memref<1x128xi32, #tpu.memory_space<vmem>> -> memref<128xi32, #tpu.memory_space<vmem>>
      %dma_wait3A_221 = arith.constant 0 : i32
      %dma_wait3A_222 = arith.constant 0 : i32
      %dma_wait3A_223 = tpu.memref_slice %arg13[%dma_wait3A_221, %dma_wait3A_222] : memref<10000x64xf32, #tpu.memory_space<vmem_shared>> -> memref<10000x64xf32, #tpu.memory_space<vmem_shared>>
      tpu.wait_indirect_dma semaphore(%arg14 : memref<!tpu.dma_semaphore, #tpu.memory_space<semaphore_mem>>) src(%dma_wait3A_223 : memref<10000x64xf32, #tpu.memory_space<vmem_shared>>) dst(%arg10 : memref<128x64xf32, #tpu.memory_space<vmem>>)
      %add3A_224 = arith.constant 0 : i32
      %add3A_225 = arith.addi %mul3A_215, %add3A_224 : i32
      "tpu.region"() ({
        %run_scoped3A_252 = tpu.sem_alloc : memref<!tpu.dma_semaphore, #tpu.memory_space<semaphore_mem>>
        %dma_start3A_253 = arith.constant 0 : i32
        %dma_start3A_254 = tpu.memref_slice %arg8[%add3A_225, %dma_start3A_253] : memref<40x128xi32, #tpu.memory_space<vmem>> -> memref<1x128xi32, #tpu.memory_space<vmem>>
        %dma_start3A_255 = tpu.memref_squeeze %dma_start3A_254 : memref<1x128xi32, #tpu.memory_space<vmem>> -> memref<128xi32, #tpu.memory_space<vmem>>
        %dma_start3A_256 = arith.constant 0 : i32
        %dma_start3A_257 = arith.constant 0 : i32
        %dma_start3A_258 = tpu.memref_slice %arg12[%dma_start3A_256, %dma_start3A_257] : memref<10240x64xf32, #tpu.memory_space<vmem_shared>> -> memref<10240x64xf32, #tpu.memory_space<vmem_shared>>
        tpu.enqueue_indirect_dma source(%arg10 : memref<128x64xf32, #tpu.memory_space<vmem>>) target(%dma_start3A_258 : memref<10240x64xf32, #tpu.memory_space<vmem_shared>>) offsets(%dma_start3A_255 : memref<128xi32, #tpu.memory_space<vmem>>) semaphore(%run_scoped3A_252 : memref<!tpu.dma_semaphore, #tpu.memory_space<semaphore_mem>>) {add = true}
        %dma_wait3A_259 = arith.constant 0 : i32
        %dma_wait3A_260 = tpu.memref_slice %arg8[%add3A_225, %dma_wait3A_259] : memref<40x128xi32, #tpu.memory_space<vmem>> -> memref<1x128xi32, #tpu.memory_space<vmem>>
        %dma_wait3A_261 = tpu.memref_squeeze %dma_wait3A_260 : memref<1x128xi32, #tpu.memory_space<vmem>> -> memref<128xi32, #tpu.memory_space<vmem>>
        %dma_wait3A_262 = arith.constant 0 : i32
        %dma_wait3A_263 = arith.constant 0 : i32
        %dma_wait3A_264 = tpu.memref_slice %arg12[%dma_wait3A_262, %dma_wait3A_263] : memref<10240x64xf32, #tpu.memory_space<vmem_shared>> -> memref<10240x64xf32, #tpu.memory_space<vmem_shared>>
        tpu.wait_indirect_dma semaphore(%run_scoped3A_252 : memref<!tpu.dma_semaphore, #tpu.memory_space<semaphore_mem>>) src(%arg10 : memref<128x64xf32, #tpu.memory_space<vmem>>) dst(%dma_wait3A_264 : memref<10240x64xf32, #tpu.memory_space<vmem_shared>>)
        tpu.yield
      }) : () -> ()
      %add3A_226 = arith.constant 2 : i32
      %add3A_227 = arith.addi %mul3A_215, %add3A_226 : i32
      %add3A_228 = arith.constant 0 : i32
      %add3A_229 = arith.addi %add3A_227, %add3A_228 : i32
      %lt3A = arith.constant 40 : i32
      %lt3A_230 = arith.cmpi slt, %add3A_229, %lt3A : i32
      %convert_element_type3A = arith.extui %lt3A_230 : i1 to i32
      %cond3A = arith.constant 0 : i32
      %cond3A_231 = arith.cmpi ne, %convert_element_type3A, %cond3A : i32
      scf.if %cond3A_231 {
        %add3A_252 = arith.constant 2 : i32
        %add3A_253 = arith.addi %mul3A_215, %add3A_252 : i32
        %add3A_254 = arith.constant 0 : i32
        %add3A_255 = arith.addi %add3A_253, %add3A_254 : i32
        %dma_start3A_256 = arith.constant 0 : i32
        %dma_start3A_257 = tpu.memref_slice %arg6[%add3A_255, %dma_start3A_256] : memref<40x128xi32, #tpu.memory_space<vmem>> -> memref<1x128xi32, #tpu.memory_space<vmem>>
        %dma_start3A_258 = tpu.memref_squeeze %dma_start3A_257 : memref<1x128xi32, #tpu.memory_space<vmem>> -> memref<128xi32, #tpu.memory_space<vmem>>
        %dma_start3A_259 = arith.constant 0 : i32
        %dma_start3A_260 = arith.constant 0 : i32
        %dma_start3A_261 = tpu.memref_slice %arg13[%dma_start3A_259, %dma_start3A_260] : memref<10000x64xf32, #tpu.memory_space<vmem_shared>> -> memref<10000x64xf32, #tpu.memory_space<vmem_shared>>
        tpu.enqueue_indirect_dma source(%dma_start3A_261 : memref<10000x64xf32, #tpu.memory_space<vmem_shared>>) target(%arg10 : memref<128x64xf32, #tpu.memory_space<vmem>>) offsets(%dma_start3A_258 : memref<128xi32, #tpu.memory_space<vmem>>) semaphore(%arg14 : memref<!tpu.dma_semaphore, #tpu.memory_space<semaphore_mem>>)
      } else {
      }
      %add3A_232 = arith.constant 1 : i32
      %add3A_233 = arith.addi %mul3A_215, %add3A_232 : i32
      %dma_wait3A_234 = arith.constant 0 : i32
      %dma_wait3A_235 = tpu.memref_slice %arg6[%add3A_233, %dma_wait3A_234] : memref<40x128xi32, #tpu.memory_space<vmem>> -> memref<1x128xi32, #tpu.memory_space<vmem>>
      %dma_wait3A_236 = tpu.memref_squeeze %dma_wait3A_235 : memref<1x128xi32, #tpu.memory_space<vmem>> -> memref<128xi32, #tpu.memory_space<vmem>>
      %dma_wait3A_237 = arith.constant 0 : i32
      %dma_wait3A_238 = arith.constant 0 : i32
      %dma_wait3A_239 = tpu.memref_slice %arg13[%dma_wait3A_237, %dma_wait3A_238] : memref<10000x64xf32, #tpu.memory_space<vmem_shared>> -> memref<10000x64xf32, #tpu.memory_space<vmem_shared>>
      tpu.wait_indirect_dma semaphore(%arg15 : memref<!tpu.dma_semaphore, #tpu.memory_space<semaphore_mem>>) src(%dma_wait3A_239 : memref<10000x64xf32, #tpu.memory_space<vmem_shared>>) dst(%arg11 : memref<128x64xf32, #tpu.memory_space<vmem>>)
      %add3A_240 = arith.constant 1 : i32
      %add3A_241 = arith.addi %mul3A_215, %add3A_240 : i32
      "tpu.region"() ({
        %run_scoped3A_252 = tpu.sem_alloc : memref<!tpu.dma_semaphore, #tpu.memory_space<semaphore_mem>>
        %dma_start3A_253 = arith.constant 0 : i32
        %dma_start3A_254 = tpu.memref_slice %arg8[%add3A_241, %dma_start3A_253] : memref<40x128xi32, #tpu.memory_space<vmem>> -> memref<1x128xi32, #tpu.memory_space<vmem>>
        %dma_start3A_255 = tpu.memref_squeeze %dma_start3A_254 : memref<1x128xi32, #tpu.memory_space<vmem>> -> memref<128xi32, #tpu.memory_space<vmem>>
        %dma_start3A_256 = arith.constant 0 : i32
        %dma_start3A_257 = arith.constant 0 : i32
        %dma_start3A_258 = tpu.memref_slice %arg12[%dma_start3A_256, %dma_start3A_257] : memref<10240x64xf32, #tpu.memory_space<vmem_shared>> -> memref<10240x64xf32, #tpu.memory_space<vmem_shared>>
        tpu.enqueue_indirect_dma source(%arg11 : memref<128x64xf32, #tpu.memory_space<vmem>>) target(%dma_start3A_258 : memref<10240x64xf32, #tpu.memory_space<vmem_shared>>) offsets(%dma_start3A_255 : memref<128xi32, #tpu.memory_space<vmem>>) semaphore(%run_scoped3A_252 : memref<!tpu.dma_semaphore, #tpu.memory_space<semaphore_mem>>) {add = true}
        %dma_wait3A_259 = arith.constant 0 : i32
        %dma_wait3A_260 = tpu.memref_slice %arg8[%add3A_241, %dma_wait3A_259] : memref<40x128xi32, #tpu.memory_space<vmem>> -> memref<1x128xi32, #tpu.memory_space<vmem>>
        %dma_wait3A_261 = tpu.memref_squeeze %dma_wait3A_260 : memref<1x128xi32, #tpu.memory_space<vmem>> -> memref<128xi32, #tpu.memory_space<vmem>>
        %dma_wait3A_262 = arith.constant 0 : i32
        %dma_wait3A_263 = arith.constant 0 : i32
        %dma_wait3A_264 = tpu.memref_slice %arg12[%dma_wait3A_262, %dma_wait3A_263] : memref<10240x64xf32, #tpu.memory_space<vmem_shared>> -> memref<10240x64xf32, #tpu.memory_space<vmem_shared>>
        tpu.wait_indirect_dma semaphore(%run_scoped3A_252 : memref<!tpu.dma_semaphore, #tpu.memory_space<semaphore_mem>>) src(%arg11 : memref<128x64xf32, #tpu.memory_space<vmem>>) dst(%dma_wait3A_264 : memref<10240x64xf32, #tpu.memory_space<vmem_shared>>)
        tpu.yield
      }) : () -> ()
      %add3A_242 = arith.constant 2 : i32
      %add3A_243 = arith.addi %mul3A_215, %add3A_242 : i32
      %add3A_244 = arith.constant 1 : i32
      %add3A_245 = arith.addi %add3A_243, %add3A_244 : i32
      %lt3A_246 = arith.constant 40 : i32
      %lt3A_247 = arith.cmpi slt, %add3A_245, %lt3A_246 : i32
      %convert_element_type3A_248 = arith.extui %lt3A_247 : i1 to i32
      %cond3A_249 = arith.constant 0 : i32
      %cond3A_250 = arith.cmpi ne, %convert_element_type3A_248, %cond3A_249 : i32
      scf.if %cond3A_250 {
        %add3A_252 = arith.constant 2 : i32
        %add3A_253 = arith.addi %mul3A_215, %add3A_252 : i32
        %add3A_254 = arith.constant 1 : i32
        %add3A_255 = arith.addi %add3A_253, %add3A_254 : i32
        %dma_start3A_256 = arith.constant 0 : i32
        %dma_start3A_257 = tpu.memref_slice %arg6[%add3A_255, %dma_start3A_256] : memref<40x128xi32, #tpu.memory_space<vmem>> -> memref<1x128xi32, #tpu.memory_space<vmem>>
        %dma_start3A_258 = tpu.memref_squeeze %dma_start3A_257 : memref<1x128xi32, #tpu.memory_space<vmem>> -> memref<128xi32, #tpu.memory_space<vmem>>
        %dma_start3A_259 = arith.constant 0 : i32
        %dma_start3A_260 = arith.constant 0 : i32
        %dma_start3A_261 = tpu.memref_slice %arg13[%dma_start3A_259, %dma_start3A_260] : memref<10000x64xf32, #tpu.memory_space<vmem_shared>> -> memref<10000x64xf32, #tpu.memory_space<vmem_shared>>
        tpu.enqueue_indirect_dma source(%dma_start3A_261 : memref<10000x64xf32, #tpu.memory_space<vmem_shared>>) target(%arg11 : memref<128x64xf32, #tpu.memory_space<vmem>>) offsets(%dma_start3A_258 : memref<128xi32, #tpu.memory_space<vmem>>) semaphore(%arg15 : memref<!tpu.dma_semaphore, #tpu.memory_space<semaphore_mem>>)
      } else {
      }
      %scan3A_251 = arith.constant 0 : i32
      scf.yield %scan3A_251 : i32
    }
    %scan3A_58 = arith.constant 20 : i32
    %dma_wait3A = arith.constant 0 : i32
    %dma_wait3A_59 = arith.constant 40 : i32
    %dma_wait3A_60 = arith.constant 0 : i32
    %dma_wait3A_61 = tpu.memref_slice %arg3[%dma_wait3A, %arg1, %dma_wait3A_59, %dma_wait3A_60] : memref<2x16x80x128xi32, #tpu.memory_space<hbm>> -> memref<1x1x40x128xi32, #tpu.memory_space<hbm>>
    %dma_wait3A_62 = tpu.memref_squeeze %dma_wait3A_61 : memref<1x1x40x128xi32, #tpu.memory_space<hbm>> -> memref<40x128xi32, #tpu.memory_space<hbm>>
    %dma_wait3A_63 = arith.constant 40 : i32
    %dma_wait3A_64 = arith.constant 0 : i32
    %dma_wait3A_65 = tpu.memref_slice %arg3[%dma_wait3A, %arg1, %dma_wait3A_63, %dma_wait3A_64] : memref<2x16x80x128xi32, #tpu.memory_space<hbm>> -> memref<1x1x40x128xi32, #tpu.memory_space<hbm>>
    %dma_wait3A_66 = tpu.memref_squeeze %dma_wait3A_65 : memref<1x1x40x128xi32, #tpu.memory_space<hbm>> -> memref<40x128xi32, #tpu.memory_space<hbm>>
    tpu.wait_dma2 semaphore(%arg16 : memref<!tpu.dma_semaphore, #tpu.memory_space<semaphore_mem>>) src(%dma_wait3A_66 : memref<40x128xi32, #tpu.memory_space<hbm>>) dst(%arg7 : memref<40x128xi32, #tpu.memory_space<vmem>>)
    %dma_wait3A_67 = arith.constant 0 : i32
    %dma_wait3A_68 = arith.constant 40 : i32
    %dma_wait3A_69 = arith.constant 0 : i32
    %dma_wait3A_70 = tpu.memref_slice %arg4[%dma_wait3A_67, %arg1, %dma_wait3A_68, %dma_wait3A_69] : memref<2x16x80x128xi32, #tpu.memory_space<hbm>> -> memref<1x1x40x128xi32, #tpu.memory_space<hbm>>
    %dma_wait3A_71 = tpu.memref_squeeze %dma_wait3A_70 : memref<1x1x40x128xi32, #tpu.memory_space<hbm>> -> memref<40x128xi32, #tpu.memory_space<hbm>>
    %dma_wait3A_72 = arith.constant 40 : i32
    %dma_wait3A_73 = arith.constant 0 : i32
    %dma_wait3A_74 = tpu.memref_slice %arg4[%dma_wait3A_67, %arg1, %dma_wait3A_72, %dma_wait3A_73] : memref<2x16x80x128xi32, #tpu.memory_space<hbm>> -> memref<1x1x40x128xi32, #tpu.memory_space<hbm>>
    %dma_wait3A_75 = tpu.memref_squeeze %dma_wait3A_74 : memref<1x1x40x128xi32, #tpu.memory_space<hbm>> -> memref<40x128xi32, #tpu.memory_space<hbm>>
    tpu.wait_dma2 semaphore(%arg16 : memref<!tpu.dma_semaphore, #tpu.memory_space<semaphore_mem>>) src(%dma_wait3A_75 : memref<40x128xi32, #tpu.memory_space<hbm>>) dst(%arg9 : memref<40x128xi32, #tpu.memory_space<vmem>>)
    %dma_start3A_76 = arith.constant 1 : i32
    %dma_start3A_77 = arith.constant 0 : i32
    %dma_start3A_78 = arith.constant 0 : i32
    %dma_start3A_79 = tpu.memref_slice %arg3[%dma_start3A_76, %arg1, %dma_start3A_77, %dma_start3A_78] : memref<2x16x80x128xi32, #tpu.memory_space<hbm>> -> memref<1x1x40x128xi32, #tpu.memory_space<hbm>>
    %dma_start3A_80 = tpu.memref_squeeze %dma_start3A_79 : memref<1x1x40x128xi32, #tpu.memory_space<hbm>> -> memref<40x128xi32, #tpu.memory_space<hbm>>
    %dma_start3A_81 = arith.constant 0 : i32
    %dma_start3A_82 = arith.constant 0 : i32
    %dma_start3A_83 = tpu.memref_slice %arg3[%dma_start3A_76, %arg1, %dma_start3A_81, %dma_start3A_82] : memref<2x16x80x128xi32, #tpu.memory_space<hbm>> -> memref<1x1x40x128xi32, #tpu.memory_space<hbm>>
    %dma_start3A_84 = tpu.memref_squeeze %dma_start3A_83 : memref<1x1x40x128xi32, #tpu.memory_space<hbm>> -> memref<40x128xi32, #tpu.memory_space<hbm>>
    tpu.enqueue_dma source(%dma_start3A_84 : memref<40x128xi32, #tpu.memory_space<hbm>>) target(%arg6 : memref<40x128xi32, #tpu.memory_space<vmem>>) target_semaphore(%arg16 : memref<!tpu.dma_semaphore, #tpu.memory_space<semaphore_mem>>)
    %dma_start3A_85 = arith.constant 1 : i32
    %dma_start3A_86 = arith.constant 0 : i32
    %dma_start3A_87 = arith.constant 0 : i32
    %dma_start3A_88 = tpu.memref_slice %arg4[%dma_start3A_85, %arg1, %dma_start3A_86, %dma_start3A_87] : memref<2x16x80x128xi32, #tpu.memory_space<hbm>> -> memref<1x1x40x128xi32, #tpu.memory_space<hbm>>
    %dma_start3A_89 = tpu.memref_squeeze %dma_start3A_88 : memref<1x1x40x128xi32, #tpu.memory_space<hbm>> -> memref<40x128xi32, #tpu.memory_space<hbm>>
    %dma_start3A_90 = arith.constant 0 : i32
    %dma_start3A_91 = arith.constant 0 : i32
    %dma_start3A_92 = tpu.memref_slice %arg4[%dma_start3A_85, %arg1, %dma_start3A_90, %dma_start3A_91] : memref<2x16x80x128xi32, #tpu.memory_space<hbm>> -> memref<1x1x40x128xi32, #tpu.memory_space<hbm>>
    %dma_start3A_93 = tpu.memref_squeeze %dma_start3A_92 : memref<1x1x40x128xi32, #tpu.memory_space<hbm>> -> memref<40x128xi32, #tpu.memory_space<hbm>>
    tpu.enqueue_dma source(%dma_start3A_93 : memref<40x128xi32, #tpu.memory_space<hbm>>) target(%arg8 : memref<40x128xi32, #tpu.memory_space<vmem>>) target_semaphore(%arg16 : memref<!tpu.dma_semaphore, #tpu.memory_space<semaphore_mem>>)
    %dma_start3A_94 = arith.constant 0 : i32
    %dma_start3A_95 = arith.constant 0 : i32
    %dma_start3A_96 = tpu.memref_slice %arg7[%dma_start3A_94, %dma_start3A_95] : memref<40x128xi32, #tpu.memory_space<vmem>> -> memref<1x128xi32, #tpu.memory_space<vmem>>
    %dma_start3A_97 = tpu.memref_squeeze %dma_start3A_96 : memref<1x128xi32, #tpu.memory_space<vmem>> -> memref<128xi32, #tpu.memory_space<vmem>>
    %dma_start3A_98 = arith.constant 0 : i32
    %dma_start3A_99 = arith.constant 0 : i32
    %dma_start3A_100 = tpu.memref_slice %arg13[%dma_start3A_98, %dma_start3A_99] : memref<10000x64xf32, #tpu.memory_space<vmem_shared>> -> memref<10000x64xf32, #tpu.memory_space<vmem_shared>>
    tpu.enqueue_indirect_dma source(%dma_start3A_100 : memref<10000x64xf32, #tpu.memory_space<vmem_shared>>) target(%arg10 : memref<128x64xf32, #tpu.memory_space<vmem>>) offsets(%dma_start3A_97 : memref<128xi32, #tpu.memory_space<vmem>>) semaphore(%arg14 : memref<!tpu.dma_semaphore, #tpu.memory_space<semaphore_mem>>)
    %dma_start3A_101 = arith.constant 1 : i32
    %dma_start3A_102 = arith.constant 0 : i32
    %dma_start3A_103 = tpu.memref_slice %arg7[%dma_start3A_101, %dma_start3A_102] : memref<40x128xi32, #tpu.memory_space<vmem>> -> memref<1x128xi32, #tpu.memory_space<vmem>>
    %dma_start3A_104 = tpu.memref_squeeze %dma_start3A_103 : memref<1x128xi32, #tpu.memory_space<vmem>> -> memref<128xi32, #tpu.memory_space<vmem>>
    %dma_start3A_105 = arith.constant 0 : i32
    %dma_start3A_106 = arith.constant 0 : i32
    %dma_start3A_107 = tpu.memref_slice %arg13[%dma_start3A_105, %dma_start3A_106] : memref<10000x64xf32, #tpu.memory_space<vmem_shared>> -> memref<10000x64xf32, #tpu.memory_space<vmem_shared>>
    tpu.enqueue_indirect_dma source(%dma_start3A_107 : memref<10000x64xf32, #tpu.memory_space<vmem_shared>>) target(%arg11 : memref<128x64xf32, #tpu.memory_space<vmem>>) offsets(%dma_start3A_104 : memref<128xi32, #tpu.memory_space<vmem>>) semaphore(%arg15 : memref<!tpu.dma_semaphore, #tpu.memory_space<semaphore_mem>>)
    %scan3A_108 = arith.constant 0 : i32
    %scan3A_109 = arith.constant 0 : i32
    %scan3A_110 = arith.constant 20 : i32
    %scan3A_111 = arith.addi %scan3A_109, %scan3A_110 : i32
    %scan3A_112 = arith.constant 1 : i32
    %scan3A_113 = scf.for %scan3A_212 = %scan3A_109 to %scan3A_111 step %scan3A_112 iter_args(%scan3A_213 = %scan3A_108) -> (i32)  : i32 {
      %mul3A_214 = arith.constant 2 : i32
      %mul3A_215 = arith.muli %scan3A_212, %mul3A_214 : i32
      %add3A_216 = arith.constant 0 : i32
      %add3A_217 = arith.addi %mul3A_215, %add3A_216 : i32
      %dma_wait3A_218 = arith.constant 0 : i32
      %dma_wait3A_219 = tpu.memref_slice %arg7[%add3A_217, %dma_wait3A_218] : memref<40x128xi32, #tpu.memory_space<vmem>> -> memref<1x128xi32, #tpu.memory_space<vmem>>
      %dma_wait3A_220 = tpu.memref_squeeze %dma_wait3A_219 : memref<1x128xi32, #tpu.memory_space<vmem>> -> memref<128xi32, #tpu.memory_space<vmem>>
      %dma_wait3A_221 = arith.constant 0 : i32
      %dma_wait3A_222 = arith.constant 0 : i32
      %dma_wait3A_223 = tpu.memref_slice %arg13[%dma_wait3A_221, %dma_wait3A_222] : memref<10000x64xf32, #tpu.memory_space<vmem_shared>> -> memref<10000x64xf32, #tpu.memory_space<vmem_shared>>
      tpu.wait_indirect_dma semaphore(%arg14 : memref<!tpu.dma_semaphore, #tpu.memory_space<semaphore_mem>>) src(%dma_wait3A_223 : memref<10000x64xf32, #tpu.memory_space<vmem_shared>>) dst(%arg10 : memref<128x64xf32, #tpu.memory_space<vmem>>)
      %add3A_224 = arith.constant 0 : i32
      %add3A_225 = arith.addi %mul3A_215, %add3A_224 : i32
      "tpu.region"() ({
        %run_scoped3A_252 = tpu.sem_alloc : memref<!tpu.dma_semaphore, #tpu.memory_space<semaphore_mem>>
        %dma_start3A_253 = arith.constant 0 : i32
        %dma_start3A_254 = tpu.memref_slice %arg9[%add3A_225, %dma_start3A_253] : memref<40x128xi32, #tpu.memory_space<vmem>> -> memref<1x128xi32, #tpu.memory_space<vmem>>
        %dma_start3A_255 = tpu.memref_squeeze %dma_start3A_254 : memref<1x128xi32, #tpu.memory_space<vmem>> -> memref<128xi32, #tpu.memory_space<vmem>>
        %dma_start3A_256 = arith.constant 0 : i32
        %dma_start3A_257 = arith.constant 0 : i32
        %dma_start3A_258 = tpu.memref_slice %arg12[%dma_start3A_256, %dma_start3A_257] : memref<10240x64xf32, #tpu.memory_space<vmem_shared>> -> memref<10240x64xf32, #tpu.memory_space<vmem_shared>>
        tpu.enqueue_indirect_dma source(%arg10 : memref<128x64xf32, #tpu.memory_space<vmem>>) target(%dma_start3A_258 : memref<10240x64xf32, #tpu.memory_space<vmem_shared>>) offsets(%dma_start3A_255 : memref<128xi32, #tpu.memory_space<vmem>>) semaphore(%run_scoped3A_252 : memref<!tpu.dma_semaphore, #tpu.memory_space<semaphore_mem>>) {add = true}
        %dma_wait3A_259 = arith.constant 0 : i32
        %dma_wait3A_260 = tpu.memref_slice %arg9[%add3A_225, %dma_wait3A_259] : memref<40x128xi32, #tpu.memory_space<vmem>> -> memref<1x128xi32, #tpu.memory_space<vmem>>
        %dma_wait3A_261 = tpu.memref_squeeze %dma_wait3A_260 : memref<1x128xi32, #tpu.memory_space<vmem>> -> memref<128xi32, #tpu.memory_space<vmem>>
        %dma_wait3A_262 = arith.constant 0 : i32
        %dma_wait3A_263 = arith.constant 0 : i32
        %dma_wait3A_264 = tpu.memref_slice %arg12[%dma_wait3A_262, %dma_wait3A_263] : memref<10240x64xf32, #tpu.memory_space<vmem_shared>> -> memref<10240x64xf32, #tpu.memory_space<vmem_shared>>
        tpu.wait_indirect_dma semaphore(%run_scoped3A_252 : memref<!tpu.dma_semaphore, #tpu.memory_space<semaphore_mem>>) src(%arg10 : memref<128x64xf32, #tpu.memory_space<vmem>>) dst(%dma_wait3A_264 : memref<10240x64xf32, #tpu.memory_space<vmem_shared>>)
        tpu.yield
      }) : () -> ()
      %add3A_226 = arith.constant 2 : i32
      %add3A_227 = arith.addi %mul3A_215, %add3A_226 : i32
      %add3A_228 = arith.constant 0 : i32
      %add3A_229 = arith.addi %add3A_227, %add3A_228 : i32
      %lt3A = arith.constant 40 : i32
      %lt3A_230 = arith.cmpi slt, %add3A_229, %lt3A : i32
      %convert_element_type3A = arith.extui %lt3A_230 : i1 to i32
      %cond3A = arith.constant 0 : i32
      %cond3A_231 = arith.cmpi ne, %convert_element_type3A, %cond3A : i32
      scf.if %cond3A_231 {
        %add3A_252 = arith.constant 2 : i32
        %add3A_253 = arith.addi %mul3A_215, %add3A_252 : i32
        %add3A_254 = arith.constant 0 : i32
        %add3A_255 = arith.addi %add3A_253, %add3A_254 : i32
        %dma_start3A_256 = arith.constant 0 : i32
        %dma_start3A_257 = tpu.memref_slice %arg7[%add3A_255, %dma_start3A_256] : memref<40x128xi32, #tpu.memory_space<vmem>> -> memref<1x128xi32, #tpu.memory_space<vmem>>
        %dma_start3A_258 = tpu.memref_squeeze %dma_start3A_257 : memref<1x128xi32, #tpu.memory_space<vmem>> -> memref<128xi32, #tpu.memory_space<vmem>>
        %dma_start3A_259 = arith.constant 0 : i32
        %dma_start3A_260 = arith.constant 0 : i32
        %dma_start3A_261 = tpu.memref_slice %arg13[%dma_start3A_259, %dma_start3A_260] : memref<10000x64xf32, #tpu.memory_space<vmem_shared>> -> memref<10000x64xf32, #tpu.memory_space<vmem_shared>>
        tpu.enqueue_indirect_dma source(%dma_start3A_261 : memref<10000x64xf32, #tpu.memory_space<vmem_shared>>) target(%arg10 : memref<128x64xf32, #tpu.memory_space<vmem>>) offsets(%dma_start3A_258 : memref<128xi32, #tpu.memory_space<vmem>>) semaphore(%arg14 : memref<!tpu.dma_semaphore, #tpu.memory_space<semaphore_mem>>)
      } else {
      }
      %add3A_232 = arith.constant 1 : i32
      %add3A_233 = arith.addi %mul3A_215, %add3A_232 : i32
      %dma_wait3A_234 = arith.constant 0 : i32
      %dma_wait3A_235 = tpu.memref_slice %arg7[%add3A_233, %dma_wait3A_234] : memref<40x128xi32, #tpu.memory_space<vmem>> -> memref<1x128xi32, #tpu.memory_space<vmem>>
      %dma_wait3A_236 = tpu.memref_squeeze %dma_wait3A_235 : memref<1x128xi32, #tpu.memory_space<vmem>> -> memref<128xi32, #tpu.memory_space<vmem>>
      %dma_wait3A_237 = arith.constant 0 : i32
      %dma_wait3A_238 = arith.constant 0 : i32
      %dma_wait3A_239 = tpu.memref_slice %arg13[%dma_wait3A_237, %dma_wait3A_238] : memref<10000x64xf32, #tpu.memory_space<vmem_shared>> -> memref<10000x64xf32, #tpu.memory_space<vmem_shared>>
      tpu.wait_indirect_dma semaphore(%arg15 : memref<!tpu.dma_semaphore, #tpu.memory_space<semaphore_mem>>) src(%dma_wait3A_239 : memref<10000x64xf32, #tpu.memory_space<vmem_shared>>) dst(%arg11 : memref<128x64xf32, #tpu.memory_space<vmem>>)
      %add3A_240 = arith.constant 1 : i32
      %add3A_241 = arith.addi %mul3A_215, %add3A_240 : i32
      "tpu.region"() ({
        %run_scoped3A_252 = tpu.sem_alloc : memref<!tpu.dma_semaphore, #tpu.memory_space<semaphore_mem>>
        %dma_start3A_253 = arith.constant 0 : i32
        %dma_start3A_254 = tpu.memref_slice %arg9[%add3A_241, %dma_start3A_253] : memref<40x128xi32, #tpu.memory_space<vmem>> -> memref<1x128xi32, #tpu.memory_space<vmem>>
        %dma_start3A_255 = tpu.memref_squeeze %dma_start3A_254 : memref<1x128xi32, #tpu.memory_space<vmem>> -> memref<128xi32, #tpu.memory_space<vmem>>
        %dma_start3A_256 = arith.constant 0 : i32
        %dma_start3A_257 = arith.constant 0 : i32
        %dma_start3A_258 = tpu.memref_slice %arg12[%dma_start3A_256, %dma_start3A_257] : memref<10240x64xf32, #tpu.memory_space<vmem_shared>> -> memref<10240x64xf32, #tpu.memory_space<vmem_shared>>
        tpu.enqueue_indirect_dma source(%arg11 : memref<128x64xf32, #tpu.memory_space<vmem>>) target(%dma_start3A_258 : memref<10240x64xf32, #tpu.memory_space<vmem_shared>>) offsets(%dma_start3A_255 : memref<128xi32, #tpu.memory_space<vmem>>) semaphore(%run_scoped3A_252 : memref<!tpu.dma_semaphore, #tpu.memory_space<semaphore_mem>>) {add = true}
        %dma_wait3A_259 = arith.constant 0 : i32
        %dma_wait3A_260 = tpu.memref_slice %arg9[%add3A_241, %dma_wait3A_259] : memref<40x128xi32, #tpu.memory_space<vmem>> -> memref<1x128xi32, #tpu.memory_space<vmem>>
        %dma_wait3A_261 = tpu.memref_squeeze %dma_wait3A_260 : memref<1x128xi32, #tpu.memory_space<vmem>> -> memref<128xi32, #tpu.memory_space<vmem>>
        %dma_wait3A_262 = arith.constant 0 : i32
        %dma_wait3A_263 = arith.constant 0 : i32
        %dma_wait3A_264 = tpu.memref_slice %arg12[%dma_wait3A_262, %dma_wait3A_263] : memref<10240x64xf32, #tpu.memory_space<vmem_shared>> -> memref<10240x64xf32, #tpu.memory_space<vmem_shared>>
        tpu.wait_indirect_dma semaphore(%run_scoped3A_252 : memref<!tpu.dma_semaphore, #tpu.memory_space<semaphore_mem>>) src(%arg11 : memref<128x64xf32, #tpu.memory_space<vmem>>) dst(%dma_wait3A_264 : memref<10240x64xf32, #tpu.memory_space<vmem_shared>>)
        tpu.yield
      }) : () -> ()
      %add3A_242 = arith.constant 2 : i32
      %add3A_243 = arith.addi %mul3A_215, %add3A_242 : i32
      %add3A_244 = arith.constant 1 : i32
      %add3A_245 = arith.addi %add3A_243, %add3A_244 : i32
      %lt3A_246 = arith.constant 40 : i32
      %lt3A_247 = arith.cmpi slt, %add3A_245, %lt3A_246 : i32
      %convert_element_type3A_248 = arith.extui %lt3A_247 : i1 to i32
      %cond3A_249 = arith.constant 0 : i32
      %cond3A_250 = arith.cmpi ne, %convert_element_type3A_248, %cond3A_249 : i32
      scf.if %cond3A_250 {
        %add3A_252 = arith.constant 2 : i32
        %add3A_253 = arith.addi %mul3A_215, %add3A_252 : i32
        %add3A_254 = arith.constant 1 : i32
        %add3A_255 = arith.addi %add3A_253, %add3A_254 : i32
        %dma_start3A_256 = arith.constant 0 : i32
        %dma_start3A_257 = tpu.memref_slice %arg7[%add3A_255, %dma_start3A_256] : memref<40x128xi32, #tpu.memory_space<vmem>> -> memref<1x128xi32, #tpu.memory_space<vmem>>
        %dma_start3A_258 = tpu.memref_squeeze %dma_start3A_257 : memref<1x128xi32, #tpu.memory_space<vmem>> -> memref<128xi32, #tpu.memory_space<vmem>>
        %dma_start3A_259 = arith.constant 0 : i32
        %dma_start3A_260 = arith.constant 0 : i32
        %dma_start3A_261 = tpu.memref_slice %arg13[%dma_start3A_259, %dma_start3A_260] : memref<10000x64xf32, #tpu.memory_space<vmem_shared>> -> memref<10000x64xf32, #tpu.memory_space<vmem_shared>>
        tpu.enqueue_indirect_dma source(%dma_start3A_261 : memref<10000x64xf32, #tpu.memory_space<vmem_shared>>) target(%arg11 : memref<128x64xf32, #tpu.memory_space<vmem>>) offsets(%dma_start3A_258 : memref<128xi32, #tpu.memory_space<vmem>>) semaphore(%arg15 : memref<!tpu.dma_semaphore, #tpu.memory_space<semaphore_mem>>)
      } else {
      }
      %scan3A_251 = arith.constant 0 : i32
      scf.yield %scan3A_251 : i32
    }
    %scan3A_114 = arith.constant 20 : i32
    %dma_wait3A_115 = arith.constant 1 : i32
    %dma_wait3A_116 = arith.constant 0 : i32
    %dma_wait3A_117 = arith.constant 0 : i32
    %dma_wait3A_118 = tpu.memref_slice %arg3[%dma_wait3A_115, %arg1, %dma_wait3A_116, %dma_wait3A_117] : memref<2x16x80x128xi32, #tpu.memory_space<hbm>> -> memref<1x1x40x128xi32, #tpu.memory_space<hbm>>
    %dma_wait3A_119 = tpu.memref_squeeze %dma_wait3A_118 : memref<1x1x40x128xi32, #tpu.memory_space<hbm>> -> memref<40x128xi32, #tpu.memory_space<hbm>>
    %dma_wait3A_120 = arith.constant 0 : i32
    %dma_wait3A_121 = arith.constant 0 : i32
    %dma_wait3A_122 = tpu.memref_slice %arg3[%dma_wait3A_115, %arg1, %dma_wait3A_120, %dma_wait3A_121] : memref<2x16x80x128xi32, #tpu.memory_space<hbm>> -> memref<1x1x40x128xi32, #tpu.memory_space<hbm>>
    %dma_wait3A_123 = tpu.memref_squeeze %dma_wait3A_122 : memref<1x1x40x128xi32, #tpu.memory_space<hbm>> -> memref<40x128xi32, #tpu.memory_space<hbm>>
    tpu.wait_dma2 semaphore(%arg16 : memref<!tpu.dma_semaphore, #tpu.memory_space<semaphore_mem>>) src(%dma_wait3A_123 : memref<40x128xi32, #tpu.memory_space<hbm>>) dst(%arg6 : memref<40x128xi32, #tpu.memory_space<vmem>>)
    %dma_wait3A_124 = arith.constant 1 : i32
    %dma_wait3A_125 = arith.constant 0 : i32
    %dma_wait3A_126 = arith.constant 0 : i32
    %dma_wait3A_127 = tpu.memref_slice %arg4[%dma_wait3A_124, %arg1, %dma_wait3A_125, %dma_wait3A_126] : memref<2x16x80x128xi32, #tpu.memory_space<hbm>> -> memref<1x1x40x128xi32, #tpu.memory_space<hbm>>
    %dma_wait3A_128 = tpu.memref_squeeze %dma_wait3A_127 : memref<1x1x40x128xi32, #tpu.memory_space<hbm>> -> memref<40x128xi32, #tpu.memory_space<hbm>>
    %dma_wait3A_129 = arith.constant 0 : i32
    %dma_wait3A_130 = arith.constant 0 : i32
    %dma_wait3A_131 = tpu.memref_slice %arg4[%dma_wait3A_124, %arg1, %dma_wait3A_129, %dma_wait3A_130] : memref<2x16x80x128xi32, #tpu.memory_space<hbm>> -> memref<1x1x40x128xi32, #tpu.memory_space<hbm>>
    %dma_wait3A_132 = tpu.memref_squeeze %dma_wait3A_131 : memref<1x1x40x128xi32, #tpu.memory_space<hbm>> -> memref<40x128xi32, #tpu.memory_space<hbm>>
    tpu.wait_dma2 semaphore(%arg16 : memref<!tpu.dma_semaphore, #tpu.memory_space<semaphore_mem>>) src(%dma_wait3A_132 : memref<40x128xi32, #tpu.memory_space<hbm>>) dst(%arg8 : memref<40x128xi32, #tpu.memory_space<vmem>>)
    %dma_start3A_133 = arith.constant 1 : i32
    %dma_start3A_134 = arith.constant 40 : i32
    %dma_start3A_135 = arith.constant 0 : i32
    %dma_start3A_136 = tpu.memref_slice %arg3[%dma_start3A_133, %arg1, %dma_start3A_134, %dma_start3A_135] : memref<2x16x80x128xi32, #tpu.memory_space<hbm>> -> memref<1x1x40x128xi32, #tpu.memory_space<hbm>>
    %dma_start3A_137 = tpu.memref_squeeze %dma_start3A_136 : memref<1x1x40x128xi32, #tpu.memory_space<hbm>> -> memref<40x128xi32, #tpu.memory_space<hbm>>
    %dma_start3A_138 = arith.constant 40 : i32
    %dma_start3A_139 = arith.constant 0 : i32
    %dma_start3A_140 = tpu.memref_slice %arg3[%dma_start3A_133, %arg1, %dma_start3A_138, %dma_start3A_139] : memref<2x16x80x128xi32, #tpu.memory_space<hbm>> -> memref<1x1x40x128xi32, #tpu.memory_space<hbm>>
    %dma_start3A_141 = tpu.memref_squeeze %dma_start3A_140 : memref<1x1x40x128xi32, #tpu.memory_space<hbm>> -> memref<40x128xi32, #tpu.memory_space<hbm>>
    tpu.enqueue_dma source(%dma_start3A_141 : memref<40x128xi32, #tpu.memory_space<hbm>>) target(%arg7 : memref<40x128xi32, #tpu.memory_space<vmem>>) target_semaphore(%arg16 : memref<!tpu.dma_semaphore, #tpu.memory_space<semaphore_mem>>)
    %dma_start3A_142 = arith.constant 1 : i32
    %dma_start3A_143 = arith.constant 40 : i32
    %dma_start3A_144 = arith.constant 0 : i32
    %dma_start3A_145 = tpu.memref_slice %arg4[%dma_start3A_142, %arg1, %dma_start3A_143, %dma_start3A_144] : memref<2x16x80x128xi32, #tpu.memory_space<hbm>> -> memref<1x1x40x128xi32, #tpu.memory_space<hbm>>
    %dma_start3A_146 = tpu.memref_squeeze %dma_start3A_145 : memref<1x1x40x128xi32, #tpu.memory_space<hbm>> -> memref<40x128xi32, #tpu.memory_space<hbm>>
    %dma_start3A_147 = arith.constant 40 : i32
    %dma_start3A_148 = arith.constant 0 : i32
    %dma_start3A_149 = tpu.memref_slice %arg4[%dma_start3A_142, %arg1, %dma_start3A_147, %dma_start3A_148] : memref<2x16x80x128xi32, #tpu.memory_space<hbm>> -> memref<1x1x40x128xi32, #tpu.memory_space<hbm>>
    %dma_start3A_150 = tpu.memref_squeeze %dma_start3A_149 : memref<1x1x40x128xi32, #tpu.memory_space<hbm>> -> memref<40x128xi32, #tpu.memory_space<hbm>>
    tpu.enqueue_dma source(%dma_start3A_150 : memref<40x128xi32, #tpu.memory_space<hbm>>) target(%arg9 : memref<40x128xi32, #tpu.memory_space<vmem>>) target_semaphore(%arg16 : memref<!tpu.dma_semaphore, #tpu.memory_space<semaphore_mem>>)
    %dma_start3A_151 = arith.constant 0 : i32
    %dma_start3A_152 = arith.constant 0 : i32
    %dma_start3A_153 = tpu.memref_slice %arg6[%dma_start3A_151, %dma_start3A_152] : memref<40x128xi32, #tpu.memory_space<vmem>> -> memref<1x128xi32, #tpu.memory_space<vmem>>
    %dma_start3A_154 = tpu.memref_squeeze %dma_start3A_153 : memref<1x128xi32, #tpu.memory_space<vmem>> -> memref<128xi32, #tpu.memory_space<vmem>>
    %dma_start3A_155 = arith.constant 0 : i32
    %dma_start3A_156 = arith.constant 0 : i32
    %dma_start3A_157 = tpu.memref_slice %arg13[%dma_start3A_155, %dma_start3A_156] : memref<10000x64xf32, #tpu.memory_space<vmem_shared>> -> memref<10000x64xf32, #tpu.memory_space<vmem_shared>>
    tpu.enqueue_indirect_dma source(%dma_start3A_157 : memref<10000x64xf32, #tpu.memory_space<vmem_shared>>) target(%arg10 : memref<128x64xf32, #tpu.memory_space<vmem>>) offsets(%dma_start3A_154 : memref<128xi32, #tpu.memory_space<vmem>>) semaphore(%arg14 : memref<!tpu.dma_semaphore, #tpu.memory_space<semaphore_mem>>)
    %dma_start3A_158 = arith.constant 1 : i32
    %dma_start3A_159 = arith.constant 0 : i32
    %dma_start3A_160 = tpu.memref_slice %arg6[%dma_start3A_158, %dma_start3A_159] : memref<40x128xi32, #tpu.memory_space<vmem>> -> memref<1x128xi32, #tpu.memory_space<vmem>>
    %dma_start3A_161 = tpu.memref_squeeze %dma_start3A_160 : memref<1x128xi32, #tpu.memory_space<vmem>> -> memref<128xi32, #tpu.memory_space<vmem>>
    %dma_start3A_162 = arith.constant 0 : i32
    %dma_start3A_163 = arith.constant 0 : i32
    %dma_start3A_164 = tpu.memref_slice %arg13[%dma_start3A_162, %dma_start3A_163] : memref<10000x64xf32, #tpu.memory_space<vmem_shared>> -> memref<10000x64xf32, #tpu.memory_space<vmem_shared>>
    tpu.enqueue_indirect_dma source(%dma_start3A_164 : memref<10000x64xf32, #tpu.memory_space<vmem_shared>>) target(%arg11 : memref<128x64xf32, #tpu.memory_space<vmem>>) offsets(%dma_start3A_161 : memref<128xi32, #tpu.memory_space<vmem>>) semaphore(%arg15 : memref<!tpu.dma_semaphore, #tpu.memory_space<semaphore_mem>>)
    %scan3A_165 = arith.constant 0 : i32
    %scan3A_166 = arith.constant 0 : i32
    %scan3A_167 = arith.constant 20 : i32
    %scan3A_168 = arith.addi %scan3A_166, %scan3A_167 : i32
    %scan3A_169 = arith.constant 1 : i32
    %scan3A_170 = scf.for %scan3A_212 = %scan3A_166 to %scan3A_168 step %scan3A_169 iter_args(%scan3A_213 = %scan3A_165) -> (i32)  : i32 {
      %mul3A_214 = arith.constant 2 : i32
      %mul3A_215 = arith.muli %scan3A_212, %mul3A_214 : i32
      %add3A_216 = arith.constant 0 : i32
      %add3A_217 = arith.addi %mul3A_215, %add3A_216 : i32
      %dma_wait3A_218 = arith.constant 0 : i32
      %dma_wait3A_219 = tpu.memref_slice %arg6[%add3A_217, %dma_wait3A_218] : memref<40x128xi32, #tpu.memory_space<vmem>> -> memref<1x128xi32, #tpu.memory_space<vmem>>
      %dma_wait3A_220 = tpu.memref_squeeze %dma_wait3A_219 : memref<1x128xi32, #tpu.memory_space<vmem>> -> memref<128xi32, #tpu.memory_space<vmem>>
      %dma_wait3A_221 = arith.constant 0 : i32
      %dma_wait3A_222 = arith.constant 0 : i32
      %dma_wait3A_223 = tpu.memref_slice %arg13[%dma_wait3A_221, %dma_wait3A_222] : memref<10000x64xf32, #tpu.memory_space<vmem_shared>> -> memref<10000x64xf32, #tpu.memory_space<vmem_shared>>
      tpu.wait_indirect_dma semaphore(%arg14 : memref<!tpu.dma_semaphore, #tpu.memory_space<semaphore_mem>>) src(%dma_wait3A_223 : memref<10000x64xf32, #tpu.memory_space<vmem_shared>>) dst(%arg10 : memref<128x64xf32, #tpu.memory_space<vmem>>)
      %add3A_224 = arith.constant 0 : i32
      %add3A_225 = arith.addi %mul3A_215, %add3A_224 : i32
      "tpu.region"() ({
        %run_scoped3A_252 = tpu.sem_alloc : memref<!tpu.dma_semaphore, #tpu.memory_space<semaphore_mem>>
        %dma_start3A_253 = arith.constant 0 : i32
        %dma_start3A_254 = tpu.memref_slice %arg8[%add3A_225, %dma_start3A_253] : memref<40x128xi32, #tpu.memory_space<vmem>> -> memref<1x128xi32, #tpu.memory_space<vmem>>
        %dma_start3A_255 = tpu.memref_squeeze %dma_start3A_254 : memref<1x128xi32, #tpu.memory_space<vmem>> -> memref<128xi32, #tpu.memory_space<vmem>>
        %dma_start3A_256 = arith.constant 0 : i32
        %dma_start3A_257 = arith.constant 0 : i32
        %dma_start3A_258 = tpu.memref_slice %arg12[%dma_start3A_256, %dma_start3A_257] : memref<10240x64xf32, #tpu.memory_space<vmem_shared>> -> memref<10240x64xf32, #tpu.memory_space<vmem_shared>>
        tpu.enqueue_indirect_dma source(%arg10 : memref<128x64xf32, #tpu.memory_space<vmem>>) target(%dma_start3A_258 : memref<10240x64xf32, #tpu.memory_space<vmem_shared>>) offsets(%dma_start3A_255 : memref<128xi32, #tpu.memory_space<vmem>>) semaphore(%run_scoped3A_252 : memref<!tpu.dma_semaphore, #tpu.memory_space<semaphore_mem>>) {add = true}
        %dma_wait3A_259 = arith.constant 0 : i32
        %dma_wait3A_260 = tpu.memref_slice %arg8[%add3A_225, %dma_wait3A_259] : memref<40x128xi32, #tpu.memory_space<vmem>> -> memref<1x128xi32, #tpu.memory_space<vmem>>
        %dma_wait3A_261 = tpu.memref_squeeze %dma_wait3A_260 : memref<1x128xi32, #tpu.memory_space<vmem>> -> memref<128xi32, #tpu.memory_space<vmem>>
        %dma_wait3A_262 = arith.constant 0 : i32
        %dma_wait3A_263 = arith.constant 0 : i32
        %dma_wait3A_264 = tpu.memref_slice %arg12[%dma_wait3A_262, %dma_wait3A_263] : memref<10240x64xf32, #tpu.memory_space<vmem_shared>> -> memref<10240x64xf32, #tpu.memory_space<vmem_shared>>
        tpu.wait_indirect_dma semaphore(%run_scoped3A_252 : memref<!tpu.dma_semaphore, #tpu.memory_space<semaphore_mem>>) src(%arg10 : memref<128x64xf32, #tpu.memory_space<vmem>>) dst(%dma_wait3A_264 : memref<10240x64xf32, #tpu.memory_space<vmem_shared>>)
        tpu.yield
      }) : () -> ()
      %add3A_226 = arith.constant 2 : i32
      %add3A_227 = arith.addi %mul3A_215, %add3A_226 : i32
      %add3A_228 = arith.constant 0 : i32
      %add3A_229 = arith.addi %add3A_227, %add3A_228 : i32
      %lt3A = arith.constant 40 : i32
      %lt3A_230 = arith.cmpi slt, %add3A_229, %lt3A : i32
      %convert_element_type3A = arith.extui %lt3A_230 : i1 to i32
      %cond3A = arith.constant 0 : i32
      %cond3A_231 = arith.cmpi ne, %convert_element_type3A, %cond3A : i32
      scf.if %cond3A_231 {
        %add3A_252 = arith.constant 2 : i32
        %add3A_253 = arith.addi %mul3A_215, %add3A_252 : i32
        %add3A_254 = arith.constant 0 : i32
        %add3A_255 = arith.addi %add3A_253, %add3A_254 : i32
        %dma_start3A_256 = arith.constant 0 : i32
        %dma_start3A_257 = tpu.memref_slice %arg6[%add3A_255, %dma_start3A_256] : memref<40x128xi32, #tpu.memory_space<vmem>> -> memref<1x128xi32, #tpu.memory_space<vmem>>
        %dma_start3A_258 = tpu.memref_squeeze %dma_start3A_257 : memref<1x128xi32, #tpu.memory_space<vmem>> -> memref<128xi32, #tpu.memory_space<vmem>>
        %dma_start3A_259 = arith.constant 0 : i32
        %dma_start3A_260 = arith.constant 0 : i32
        %dma_start3A_261 = tpu.memref_slice %arg13[%dma_start3A_259, %dma_start3A_260] : memref<10000x64xf32, #tpu.memory_space<vmem_shared>> -> memref<10000x64xf32, #tpu.memory_space<vmem_shared>>
        tpu.enqueue_indirect_dma source(%dma_start3A_261 : memref<10000x64xf32, #tpu.memory_space<vmem_shared>>) target(%arg10 : memref<128x64xf32, #tpu.memory_space<vmem>>) offsets(%dma_start3A_258 : memref<128xi32, #tpu.memory_space<vmem>>) semaphore(%arg14 : memref<!tpu.dma_semaphore, #tpu.memory_space<semaphore_mem>>)
      } else {
      }
      %add3A_232 = arith.constant 1 : i32
      %add3A_233 = arith.addi %mul3A_215, %add3A_232 : i32
      %dma_wait3A_234 = arith.constant 0 : i32
      %dma_wait3A_235 = tpu.memref_slice %arg6[%add3A_233, %dma_wait3A_234] : memref<40x128xi32, #tpu.memory_space<vmem>> -> memref<1x128xi32, #tpu.memory_space<vmem>>
      %dma_wait3A_236 = tpu.memref_squeeze %dma_wait3A_235 : memref<1x128xi32, #tpu.memory_space<vmem>> -> memref<128xi32, #tpu.memory_space<vmem>>
      %dma_wait3A_237 = arith.constant 0 : i32
      %dma_wait3A_238 = arith.constant 0 : i32
      %dma_wait3A_239 = tpu.memref_slice %arg13[%dma_wait3A_237, %dma_wait3A_238] : memref<10000x64xf32, #tpu.memory_space<vmem_shared>> -> memref<10000x64xf32, #tpu.memory_space<vmem_shared>>
      tpu.wait_indirect_dma semaphore(%arg15 : memref<!tpu.dma_semaphore, #tpu.memory_space<semaphore_mem>>) src(%dma_wait3A_239 : memref<10000x64xf32, #tpu.memory_space<vmem_shared>>) dst(%arg11 : memref<128x64xf32, #tpu.memory_space<vmem>>)
      %add3A_240 = arith.constant 1 : i32
      %add3A_241 = arith.addi %mul3A_215, %add3A_240 : i32
      "tpu.region"() ({
        %run_scoped3A_252 = tpu.sem_alloc : memref<!tpu.dma_semaphore, #tpu.memory_space<semaphore_mem>>
        %dma_start3A_253 = arith.constant 0 : i32
        %dma_start3A_254 = tpu.memref_slice %arg8[%add3A_241, %dma_start3A_253] : memref<40x128xi32, #tpu.memory_space<vmem>> -> memref<1x128xi32, #tpu.memory_space<vmem>>
        %dma_start3A_255 = tpu.memref_squeeze %dma_start3A_254 : memref<1x128xi32, #tpu.memory_space<vmem>> -> memref<128xi32, #tpu.memory_space<vmem>>
        %dma_start3A_256 = arith.constant 0 : i32
        %dma_start3A_257 = arith.constant 0 : i32
        %dma_start3A_258 = tpu.memref_slice %arg12[%dma_start3A_256, %dma_start3A_257] : memref<10240x64xf32, #tpu.memory_space<vmem_shared>> -> memref<10240x64xf32, #tpu.memory_space<vmem_shared>>
        tpu.enqueue_indirect_dma source(%arg11 : memref<128x64xf32, #tpu.memory_space<vmem>>) target(%dma_start3A_258 : memref<10240x64xf32, #tpu.memory_space<vmem_shared>>) offsets(%dma_start3A_255 : memref<128xi32, #tpu.memory_space<vmem>>) semaphore(%run_scoped3A_252 : memref<!tpu.dma_semaphore, #tpu.memory_space<semaphore_mem>>) {add = true}
        %dma_wait3A_259 = arith.constant 0 : i32
        %dma_wait3A_260 = tpu.memref_slice %arg8[%add3A_241, %dma_wait3A_259] : memref<40x128xi32, #tpu.memory_space<vmem>> -> memref<1x128xi32, #tpu.memory_space<vmem>>
        %dma_wait3A_261 = tpu.memref_squeeze %dma_wait3A_260 : memref<1x128xi32, #tpu.memory_space<vmem>> -> memref<128xi32, #tpu.memory_space<vmem>>
        %dma_wait3A_262 = arith.constant 0 : i32
        %dma_wait3A_263 = arith.constant 0 : i32
        %dma_wait3A_264 = tpu.memref_slice %arg12[%dma_wait3A_262, %dma_wait3A_263] : memref<10240x64xf32, #tpu.memory_space<vmem_shared>> -> memref<10240x64xf32, #tpu.memory_space<vmem_shared>>
        tpu.wait_indirect_dma semaphore(%run_scoped3A_252 : memref<!tpu.dma_semaphore, #tpu.memory_space<semaphore_mem>>) src(%arg11 : memref<128x64xf32, #tpu.memory_space<vmem>>) dst(%dma_wait3A_264 : memref<10240x64xf32, #tpu.memory_space<vmem_shared>>)
        tpu.yield
      }) : () -> ()
      %add3A_242 = arith.constant 2 : i32
      %add3A_243 = arith.addi %mul3A_215, %add3A_242 : i32
      %add3A_244 = arith.constant 1 : i32
      %add3A_245 = arith.addi %add3A_243, %add3A_244 : i32
      %lt3A_246 = arith.constant 40 : i32
      %lt3A_247 = arith.cmpi slt, %add3A_245, %lt3A_246 : i32
      %convert_element_type3A_248 = arith.extui %lt3A_247 : i1 to i32
      %cond3A_249 = arith.constant 0 : i32
      %cond3A_250 = arith.cmpi ne, %convert_element_type3A_248, %cond3A_249 : i32
      scf.if %cond3A_250 {
        %add3A_252 = arith.constant 2 : i32
        %add3A_253 = arith.addi %mul3A_215, %add3A_252 : i32
        %add3A_254 = arith.constant 1 : i32
        %add3A_255 = arith.addi %add3A_253, %add3A_254 : i32
        %dma_start3A_256 = arith.constant 0 : i32
        %dma_start3A_257 = tpu.memref_slice %arg6[%add3A_255, %dma_start3A_256] : memref<40x128xi32, #tpu.memory_space<vmem>> -> memref<1x128xi32, #tpu.memory_space<vmem>>
        %dma_start3A_258 = tpu.memref_squeeze %dma_start3A_257 : memref<1x128xi32, #tpu.memory_space<vmem>> -> memref<128xi32, #tpu.memory_space<vmem>>
        %dma_start3A_259 = arith.constant 0 : i32
        %dma_start3A_260 = arith.constant 0 : i32
        %dma_start3A_261 = tpu.memref_slice %arg13[%dma_start3A_259, %dma_start3A_260] : memref<10000x64xf32, #tpu.memory_space<vmem_shared>> -> memref<10000x64xf32, #tpu.memory_space<vmem_shared>>
        tpu.enqueue_indirect_dma source(%dma_start3A_261 : memref<10000x64xf32, #tpu.memory_space<vmem_shared>>) target(%arg11 : memref<128x64xf32, #tpu.memory_space<vmem>>) offsets(%dma_start3A_258 : memref<128xi32, #tpu.memory_space<vmem>>) semaphore(%arg15 : memref<!tpu.dma_semaphore, #tpu.memory_space<semaphore_mem>>)
      } else {
      }
      %scan3A_251 = arith.constant 0 : i32
      scf.yield %scan3A_251 : i32
    }
    %scan3A_171 = arith.constant 20 : i32
    %dma_wait3A_172 = arith.constant 1 : i32
    %dma_wait3A_173 = arith.constant 40 : i32
    %dma_wait3A_174 = arith.constant 0 : i32
    %dma_wait3A_175 = tpu.memref_slice %arg3[%dma_wait3A_172, %arg1, %dma_wait3A_173, %dma_wait3A_174] : memref<2x16x80x128xi32, #tpu.memory_space<hbm>> -> memref<1x1x40x128xi32, #tpu.memory_space<hbm>>
    %dma_wait3A_176 = tpu.memref_squeeze %dma_wait3A_175 : memref<1x1x40x128xi32, #tpu.memory_space<hbm>> -> memref<40x128xi32, #tpu.memory_space<hbm>>
    %dma_wait3A_177 = arith.constant 40 : i32
    %dma_wait3A_178 = arith.constant 0 : i32
    %dma_wait3A_179 = tpu.memref_slice %arg3[%dma_wait3A_172, %arg1, %dma_wait3A_177, %dma_wait3A_178] : memref<2x16x80x128xi32, #tpu.memory_space<hbm>> -> memref<1x1x40x128xi32, #tpu.memory_space<hbm>>
    %dma_wait3A_180 = tpu.memref_squeeze %dma_wait3A_179 : memref<1x1x40x128xi32, #tpu.memory_space<hbm>> -> memref<40x128xi32, #tpu.memory_space<hbm>>
    tpu.wait_dma2 semaphore(%arg16 : memref<!tpu.dma_semaphore, #tpu.memory_space<semaphore_mem>>) src(%dma_wait3A_180 : memref<40x128xi32, #tpu.memory_space<hbm>>) dst(%arg7 : memref<40x128xi32, #tpu.memory_space<vmem>>)
    %dma_wait3A_181 = arith.constant 1 : i32
    %dma_wait3A_182 = arith.constant 40 : i32
    %dma_wait3A_183 = arith.constant 0 : i32
    %dma_wait3A_184 = tpu.memref_slice %arg4[%dma_wait3A_181, %arg1, %dma_wait3A_182, %dma_wait3A_183] : memref<2x16x80x128xi32, #tpu.memory_space<hbm>> -> memref<1x1x40x128xi32, #tpu.memory_space<hbm>>
    %dma_wait3A_185 = tpu.memref_squeeze %dma_wait3A_184 : memref<1x1x40x128xi32, #tpu.memory_space<hbm>> -> memref<40x128xi32, #tpu.memory_space<hbm>>
    %dma_wait3A_186 = arith.constant 40 : i32
    %dma_wait3A_187 = arith.constant 0 : i32
    %dma_wait3A_188 = tpu.memref_slice %arg4[%dma_wait3A_181, %arg1, %dma_wait3A_186, %dma_wait3A_187] : memref<2x16x80x128xi32, #tpu.memory_space<hbm>> -> memref<1x1x40x128xi32, #tpu.memory_space<hbm>>
    %dma_wait3A_189 = tpu.memref_squeeze %dma_wait3A_188 : memref<1x1x40x128xi32, #tpu.memory_space<hbm>> -> memref<40x128xi32, #tpu.memory_space<hbm>>
    tpu.wait_dma2 semaphore(%arg16 : memref<!tpu.dma_semaphore, #tpu.memory_space<semaphore_mem>>) src(%dma_wait3A_189 : memref<40x128xi32, #tpu.memory_space<hbm>>) dst(%arg9 : memref<40x128xi32, #tpu.memory_space<vmem>>)
    %dma_start3A_190 = arith.constant 0 : i32
    %dma_start3A_191 = arith.constant 0 : i32
    %dma_start3A_192 = tpu.memref_slice %arg7[%dma_start3A_190, %dma_start3A_191] : memref<40x128xi32, #tpu.memory_space<vmem>> -> memref<1x128xi32, #tpu.memory_space<vmem>>
    %dma_start3A_193 = tpu.memref_squeeze %dma_start3A_192 : memref<1x128xi32, #tpu.memory_space<vmem>> -> memref<128xi32, #tpu.memory_space<vmem>>
    %dma_start3A_194 = arith.constant 0 : i32
    %dma_start3A_195 = arith.constant 0 : i32
    %dma_start3A_196 = tpu.memref_slice %arg13[%dma_start3A_194, %dma_start3A_195] : memref<10000x64xf32, #tpu.memory_space<vmem_shared>> -> memref<10000x64xf32, #tpu.memory_space<vmem_shared>>
    tpu.enqueue_indirect_dma source(%dma_start3A_196 : memref<10000x64xf32, #tpu.memory_space<vmem_shared>>) target(%arg10 : memref<128x64xf32, #tpu.memory_space<vmem>>) offsets(%dma_start3A_193 : memref<128xi32, #tpu.memory_space<vmem>>) semaphore(%arg14 : memref<!tpu.dma_semaphore, #tpu.memory_space<semaphore_mem>>)
    %dma_start3A_197 = arith.constant 1 : i32
    %dma_start3A_198 = arith.constant 0 : i32
    %dma_start3A_199 = tpu.memref_slice %arg7[%dma_start3A_197, %dma_start3A_198] : memref<40x128xi32, #tpu.memory_space<vmem>> -> memref<1x128xi32, #tpu.memory_space<vmem>>
    %dma_start3A_200 = tpu.memref_squeeze %dma_start3A_199 : memref<1x128xi32, #tpu.memory_space<vmem>> -> memref<128xi32, #tpu.memory_space<vmem>>
    %dma_start3A_201 = arith.constant 0 : i32
    %dma_start3A_202 = arith.constant 0 : i32
    %dma_start3A_203 = tpu.memref_slice %arg13[%dma_start3A_201, %dma_start3A_202] : memref<10000x64xf32, #tpu.memory_space<vmem_shared>> -> memref<10000x64xf32, #tpu.memory_space<vmem_shared>>
    tpu.enqueue_indirect_dma source(%dma_start3A_203 : memref<10000x64xf32, #tpu.memory_space<vmem_shared>>) target(%arg11 : memref<128x64xf32, #tpu.memory_space<vmem>>) offsets(%dma_start3A_200 : memref<128xi32, #tpu.memory_space<vmem>>) semaphore(%arg15 : memref<!tpu.dma_semaphore, #tpu.memory_space<semaphore_mem>>)
    %scan3A_204 = arith.constant 0 : i32
    %scan3A_205 = arith.constant 0 : i32
    %scan3A_206 = arith.constant 20 : i32
    %scan3A_207 = arith.addi %scan3A_205, %scan3A_206 : i32
    %scan3A_208 = arith.constant 1 : i32
    %scan3A_209 = scf.for %scan3A_212 = %scan3A_205 to %scan3A_207 step %scan3A_208 iter_args(%scan3A_213 = %scan3A_204) -> (i32)  : i32 {
      %mul3A_214 = arith.constant 2 : i32
      %mul3A_215 = arith.muli %scan3A_212, %mul3A_214 : i32
      %add3A_216 = arith.constant 0 : i32
      %add3A_217 = arith.addi %mul3A_215, %add3A_216 : i32
      %dma_wait3A_218 = arith.constant 0 : i32
      %dma_wait3A_219 = tpu.memref_slice %arg7[%add3A_217, %dma_wait3A_218] : memref<40x128xi32, #tpu.memory_space<vmem>> -> memref<1x128xi32, #tpu.memory_space<vmem>>
      %dma_wait3A_220 = tpu.memref_squeeze %dma_wait3A_219 : memref<1x128xi32, #tpu.memory_space<vmem>> -> memref<128xi32, #tpu.memory_space<vmem>>
      %dma_wait3A_221 = arith.constant 0 : i32
      %dma_wait3A_222 = arith.constant 0 : i32
      %dma_wait3A_223 = tpu.memref_slice %arg13[%dma_wait3A_221, %dma_wait3A_222] : memref<10000x64xf32, #tpu.memory_space<vmem_shared>> -> memref<10000x64xf32, #tpu.memory_space<vmem_shared>>
      tpu.wait_indirect_dma semaphore(%arg14 : memref<!tpu.dma_semaphore, #tpu.memory_space<semaphore_mem>>) src(%dma_wait3A_223 : memref<10000x64xf32, #tpu.memory_space<vmem_shared>>) dst(%arg10 : memref<128x64xf32, #tpu.memory_space<vmem>>)
      %add3A_224 = arith.constant 0 : i32
      %add3A_225 = arith.addi %mul3A_215, %add3A_224 : i32
      "tpu.region"() ({
        %run_scoped3A_252 = tpu.sem_alloc : memref<!tpu.dma_semaphore, #tpu.memory_space<semaphore_mem>>
        %dma_start3A_253 = arith.constant 0 : i32
        %dma_start3A_254 = tpu.memref_slice %arg9[%add3A_225, %dma_start3A_253] : memref<40x128xi32, #tpu.memory_space<vmem>> -> memref<1x128xi32, #tpu.memory_space<vmem>>
        %dma_start3A_255 = tpu.memref_squeeze %dma_start3A_254 : memref<1x128xi32, #tpu.memory_space<vmem>> -> memref<128xi32, #tpu.memory_space<vmem>>
        %dma_start3A_256 = arith.constant 0 : i32
        %dma_start3A_257 = arith.constant 0 : i32
        %dma_start3A_258 = tpu.memref_slice %arg12[%dma_start3A_256, %dma_start3A_257] : memref<10240x64xf32, #tpu.memory_space<vmem_shared>> -> memref<10240x64xf32, #tpu.memory_space<vmem_shared>>
        tpu.enqueue_indirect_dma source(%arg10 : memref<128x64xf32, #tpu.memory_space<vmem>>) target(%dma_start3A_258 : memref<10240x64xf32, #tpu.memory_space<vmem_shared>>) offsets(%dma_start3A_255 : memref<128xi32, #tpu.memory_space<vmem>>) semaphore(%run_scoped3A_252 : memref<!tpu.dma_semaphore, #tpu.memory_space<semaphore_mem>>) {add = true}
        %dma_wait3A_259 = arith.constant 0 : i32
        %dma_wait3A_260 = tpu.memref_slice %arg9[%add3A_225, %dma_wait3A_259] : memref<40x128xi32, #tpu.memory_space<vmem>> -> memref<1x128xi32, #tpu.memory_space<vmem>>
        %dma_wait3A_261 = tpu.memref_squeeze %dma_wait3A_260 : memref<1x128xi32, #tpu.memory_space<vmem>> -> memref<128xi32, #tpu.memory_space<vmem>>
        %dma_wait3A_262 = arith.constant 0 : i32
        %dma_wait3A_263 = arith.constant 0 : i32
        %dma_wait3A_264 = tpu.memref_slice %arg12[%dma_wait3A_262, %dma_wait3A_263] : memref<10240x64xf32, #tpu.memory_space<vmem_shared>> -> memref<10240x64xf32, #tpu.memory_space<vmem_shared>>
        tpu.wait_indirect_dma semaphore(%run_scoped3A_252 : memref<!tpu.dma_semaphore, #tpu.memory_space<semaphore_mem>>) src(%arg10 : memref<128x64xf32, #tpu.memory_space<vmem>>) dst(%dma_wait3A_264 : memref<10240x64xf32, #tpu.memory_space<vmem_shared>>)
        tpu.yield
      }) : () -> ()
      %add3A_226 = arith.constant 2 : i32
      %add3A_227 = arith.addi %mul3A_215, %add3A_226 : i32
      %add3A_228 = arith.constant 0 : i32
      %add3A_229 = arith.addi %add3A_227, %add3A_228 : i32
      %lt3A = arith.constant 40 : i32
      %lt3A_230 = arith.cmpi slt, %add3A_229, %lt3A : i32
      %convert_element_type3A = arith.extui %lt3A_230 : i1 to i32
      %cond3A = arith.constant 0 : i32
      %cond3A_231 = arith.cmpi ne, %convert_element_type3A, %cond3A : i32
      scf.if %cond3A_231 {
        %add3A_252 = arith.constant 2 : i32
        %add3A_253 = arith.addi %mul3A_215, %add3A_252 : i32
        %add3A_254 = arith.constant 0 : i32
        %add3A_255 = arith.addi %add3A_253, %add3A_254 : i32
        %dma_start3A_256 = arith.constant 0 : i32
        %dma_start3A_257 = tpu.memref_slice %arg7[%add3A_255, %dma_start3A_256] : memref<40x128xi32, #tpu.memory_space<vmem>> -> memref<1x128xi32, #tpu.memory_space<vmem>>
        %dma_start3A_258 = tpu.memref_squeeze %dma_start3A_257 : memref<1x128xi32, #tpu.memory_space<vmem>> -> memref<128xi32, #tpu.memory_space<vmem>>
        %dma_start3A_259 = arith.constant 0 : i32
        %dma_start3A_260 = arith.constant 0 : i32
        %dma_start3A_261 = tpu.memref_slice %arg13[%dma_start3A_259, %dma_start3A_260] : memref<10000x64xf32, #tpu.memory_space<vmem_shared>> -> memref<10000x64xf32, #tpu.memory_space<vmem_shared>>
        tpu.enqueue_indirect_dma source(%dma_start3A_261 : memref<10000x64xf32, #tpu.memory_space<vmem_shared>>) target(%arg10 : memref<128x64xf32, #tpu.memory_space<vmem>>) offsets(%dma_start3A_258 : memref<128xi32, #tpu.memory_space<vmem>>) semaphore(%arg14 : memref<!tpu.dma_semaphore, #tpu.memory_space<semaphore_mem>>)
      } else {
      }
      %add3A_232 = arith.constant 1 : i32
      %add3A_233 = arith.addi %mul3A_215, %add3A_232 : i32
      %dma_wait3A_234 = arith.constant 0 : i32
      %dma_wait3A_235 = tpu.memref_slice %arg7[%add3A_233, %dma_wait3A_234] : memref<40x128xi32, #tpu.memory_space<vmem>> -> memref<1x128xi32, #tpu.memory_space<vmem>>
      %dma_wait3A_236 = tpu.memref_squeeze %dma_wait3A_235 : memref<1x128xi32, #tpu.memory_space<vmem>> -> memref<128xi32, #tpu.memory_space<vmem>>
      %dma_wait3A_237 = arith.constant 0 : i32
      %dma_wait3A_238 = arith.constant 0 : i32
      %dma_wait3A_239 = tpu.memref_slice %arg13[%dma_wait3A_237, %dma_wait3A_238] : memref<10000x64xf32, #tpu.memory_space<vmem_shared>> -> memref<10000x64xf32, #tpu.memory_space<vmem_shared>>
      tpu.wait_indirect_dma semaphore(%arg15 : memref<!tpu.dma_semaphore, #tpu.memory_space<semaphore_mem>>) src(%dma_wait3A_239 : memref<10000x64xf32, #tpu.memory_space<vmem_shared>>) dst(%arg11 : memref<128x64xf32, #tpu.memory_space<vmem>>)
      %add3A_240 = arith.constant 1 : i32
      %add3A_241 = arith.addi %mul3A_215, %add3A_240 : i32
      "tpu.region"() ({
        %run_scoped3A_252 = tpu.sem_alloc : memref<!tpu.dma_semaphore, #tpu.memory_space<semaphore_mem>>
        %dma_start3A_253 = arith.constant 0 : i32
        %dma_start3A_254 = tpu.memref_slice %arg9[%add3A_241, %dma_start3A_253] : memref<40x128xi32, #tpu.memory_space<vmem>> -> memref<1x128xi32, #tpu.memory_space<vmem>>
        %dma_start3A_255 = tpu.memref_squeeze %dma_start3A_254 : memref<1x128xi32, #tpu.memory_space<vmem>> -> memref<128xi32, #tpu.memory_space<vmem>>
        %dma_start3A_256 = arith.constant 0 : i32
        %dma_start3A_257 = arith.constant 0 : i32
        %dma_start3A_258 = tpu.memref_slice %arg12[%dma_start3A_256, %dma_start3A_257] : memref<10240x64xf32, #tpu.memory_space<vmem_shared>> -> memref<10240x64xf32, #tpu.memory_space<vmem_shared>>
        tpu.enqueue_indirect_dma source(%arg11 : memref<128x64xf32, #tpu.memory_space<vmem>>) target(%dma_start3A_258 : memref<10240x64xf32, #tpu.memory_space<vmem_shared>>) offsets(%dma_start3A_255 : memref<128xi32, #tpu.memory_space<vmem>>) semaphore(%run_scoped3A_252 : memref<!tpu.dma_semaphore, #tpu.memory_space<semaphore_mem>>) {add = true}
        %dma_wait3A_259 = arith.constant 0 : i32
        %dma_wait3A_260 = tpu.memref_slice %arg9[%add3A_241, %dma_wait3A_259] : memref<40x128xi32, #tpu.memory_space<vmem>> -> memref<1x128xi32, #tpu.memory_space<vmem>>
        %dma_wait3A_261 = tpu.memref_squeeze %dma_wait3A_260 : memref<1x128xi32, #tpu.memory_space<vmem>> -> memref<128xi32, #tpu.memory_space<vmem>>
        %dma_wait3A_262 = arith.constant 0 : i32
        %dma_wait3A_263 = arith.constant 0 : i32
        %dma_wait3A_264 = tpu.memref_slice %arg12[%dma_wait3A_262, %dma_wait3A_263] : memref<10240x64xf32, #tpu.memory_space<vmem_shared>> -> memref<10240x64xf32, #tpu.memory_space<vmem_shared>>
        tpu.wait_indirect_dma semaphore(%run_scoped3A_252 : memref<!tpu.dma_semaphore, #tpu.memory_space<semaphore_mem>>) src(%arg11 : memref<128x64xf32, #tpu.memory_space<vmem>>) dst(%dma_wait3A_264 : memref<10240x64xf32, #tpu.memory_space<vmem_shared>>)
        tpu.yield
      }) : () -> ()
      %add3A_242 = arith.constant 2 : i32
      %add3A_243 = arith.addi %mul3A_215, %add3A_242 : i32
      %add3A_244 = arith.constant 1 : i32
      %add3A_245 = arith.addi %add3A_243, %add3A_244 : i32
      %lt3A_246 = arith.constant 40 : i32
      %lt3A_247 = arith.cmpi slt, %add3A_245, %lt3A_246 : i32
      %convert_element_type3A_248 = arith.extui %lt3A_247 : i1 to i32
      %cond3A_249 = arith.constant 0 : i32
      %cond3A_250 = arith.cmpi ne, %convert_element_type3A_248, %cond3A_249 : i32
      scf.if %cond3A_250 {
        %add3A_252 = arith.constant 2 : i32
        %add3A_253 = arith.addi %mul3A_215, %add3A_252 : i32
        %add3A_254 = arith.constant 1 : i32
        %add3A_255 = arith.addi %add3A_253, %add3A_254 : i32
        %dma_start3A_256 = arith.constant 0 : i32
        %dma_start3A_257 = tpu.memref_slice %arg7[%add3A_255, %dma_start3A_256] : memref<40x128xi32, #tpu.memory_space<vmem>> -> memref<1x128xi32, #tpu.memory_space<vmem>>
        %dma_start3A_258 = tpu.memref_squeeze %dma_start3A_257 : memref<1x128xi32, #tpu.memory_space<vmem>> -> memref<128xi32, #tpu.memory_space<vmem>>
        %dma_start3A_259 = arith.constant 0 : i32
        %dma_start3A_260 = arith.constant 0 : i32
        %dma_start3A_261 = tpu.memref_slice %arg13[%dma_start3A_259, %dma_start3A_260] : memref<10000x64xf32, #tpu.memory_space<vmem_shared>> -> memref<10000x64xf32, #tpu.memory_space<vmem_shared>>
        tpu.enqueue_indirect_dma source(%dma_start3A_261 : memref<10000x64xf32, #tpu.memory_space<vmem_shared>>) target(%arg11 : memref<128x64xf32, #tpu.memory_space<vmem>>) offsets(%dma_start3A_258 : memref<128xi32, #tpu.memory_space<vmem>>) semaphore(%arg15 : memref<!tpu.dma_semaphore, #tpu.memory_space<semaphore_mem>>)
      } else {
      }
      %scan3A_251 = arith.constant 0 : i32
      scf.yield %scan3A_251 : i32
    }
    %scan3A_210 = arith.constant 20 : i32
    %barrier3A_211 = arith.constant 0 : index
    tpu.barrier barrier_id(%barrier3A_211)
    "tpu.region"() ({
      %run_scoped3A_212 = tpu.sem_alloc : memref<!tpu.dma_semaphore, #tpu.memory_space<semaphore_mem>>
      %dma_start3A_213 = arith.constant 0 : i32
      %dma_start3A_214 = tpu.memref_slice %arg5[%arg0, %mul3A_11, %dma_start3A_213] : memref<2x10240x64xf32, #tpu.memory_space<hbm>> -> memref<1x640x64xf32, #tpu.memory_space<hbm>>
      %dma_start3A_215 = tpu.memref_squeeze %dma_start3A_214 : memref<1x640x64xf32, #tpu.memory_space<hbm>> -> memref<640x64xf32, #tpu.memory_space<hbm>>
      %dma_start3A_216 = arith.constant 0 : i32
      %dma_start3A_217 = tpu.memref_slice %arg12[%mul3A_11, %dma_start3A_216] : memref<10240x64xf32, #tpu.memory_space<vmem_shared>> -> memref<640x64xf32, #tpu.memory_space<vmem_shared>>
      tpu.enqueue_dma source(%dma_start3A_217 : memref<640x64xf32, #tpu.memory_space<vmem_shared>>) target(%dma_start3A_215 : memref<640x64xf32, #tpu.memory_space<hbm>>) target_semaphore(%run_scoped3A_212 : memref<!tpu.dma_semaphore, #tpu.memory_space<semaphore_mem>>)
      %dma_wait3A_218 = arith.constant 0 : i32
      %dma_wait3A_219 = tpu.memref_slice %arg5[%arg0, %mul3A_11, %dma_wait3A_218] : memref<2x10240x64xf32, #tpu.memory_space<hbm>> -> memref<1x640x64xf32, #tpu.memory_space<hbm>>
      %dma_wait3A_220 = tpu.memref_squeeze %dma_wait3A_219 : memref<1x640x64xf32, #tpu.memory_space<hbm>> -> memref<640x64xf32, #tpu.memory_space<hbm>>
      %dma_wait3A_221 = arith.constant 0 : i32
      %dma_wait3A_222 = tpu.memref_slice %arg12[%mul3A_11, %dma_wait3A_221] : memref<10240x64xf32, #tpu.memory_space<vmem_shared>> -> memref<640x64xf32, #tpu.memory_space<vmem_shared>>
      tpu.wait_dma2 semaphore(%run_scoped3A_212 : memref<!tpu.dma_semaphore, #tpu.memory_space<semaphore_mem>>) src(%dma_wait3A_222 : memref<640x64xf32, #tpu.memory_space<vmem_shared>>) dst(%dma_wait3A_220 : memref<640x64xf32, #tpu.memory_space<hbm>>)
      tpu.yield
    }) : () -> ()
    return
  }
}

#map = affine_map<(d0, d1) -> (0, 0, 0, 0)>
#map1 = affine_map<(d0, d1) -> (0, 0, 0)>
module attributes {stable_mosaic.version = 14 : i64} {
  func.func @_deg_kernel(%arg0: i32, %arg1: i32, %arg2: memref<2x16x80x128xi32, #tpu.memory_space<hbm>>, %arg3: memref<2x10240x16xf32, #tpu.memory_space<hbm>>, %arg4: memref<80x128xi32, #tpu.memory_space<vmem>>, %arg5: memref<128x16xf32, #tpu.memory_space<vmem>>, %arg6: memref<128x16xf32, #tpu.memory_space<vmem>>, %arg7: memref<10240x16xf32, #tpu.memory_space<vmem_shared>>) attributes {dimension_semantics = [#tpu.dimension_semantics<core_parallel>, #tpu.dimension_semantics<subcore_parallel>], iteration_bounds = array<i64: 2, 16>, scalar_prefetch = 0 : i64, scratch_operands = 4 : i64, tpu.core_type = #tpu.core_type<sc_vector_subcore>, window_params = [{transform_indices = #map}, {transform_indices = #map1}]} {
    "tpu.region"() ({
      %run_scoped3A = tpu.sem_alloc : memref<!tpu.dma_semaphore, #tpu.memory_space<semaphore_mem>>
      %dma_start3A = arith.constant 0 : i32
      %dma_start3A_24 = arith.constant 0 : i32
      %dma_start3A_25 = tpu.memref_slice %arg2[%arg0, %arg1, %dma_start3A, %dma_start3A_24] : memref<2x16x80x128xi32, #tpu.memory_space<hbm>> -> memref<1x1x80x128xi32, #tpu.memory_space<hbm>>
      %dma_start3A_26 = tpu.memref_squeeze %dma_start3A_25 : memref<1x1x80x128xi32, #tpu.memory_space<hbm>> -> memref<80x128xi32, #tpu.memory_space<hbm>>
      %dma_start3A_27 = arith.constant 0 : i32
      %dma_start3A_28 = arith.constant 0 : i32
      %dma_start3A_29 = tpu.memref_slice %arg2[%arg0, %arg1, %dma_start3A_27, %dma_start3A_28] : memref<2x16x80x128xi32, #tpu.memory_space<hbm>> -> memref<1x1x80x128xi32, #tpu.memory_space<hbm>>
      %dma_start3A_30 = tpu.memref_squeeze %dma_start3A_29 : memref<1x1x80x128xi32, #tpu.memory_space<hbm>> -> memref<80x128xi32, #tpu.memory_space<hbm>>
      tpu.enqueue_dma source(%dma_start3A_30 : memref<80x128xi32, #tpu.memory_space<hbm>>) target(%arg4 : memref<80x128xi32, #tpu.memory_space<vmem>>) target_semaphore(%run_scoped3A : memref<!tpu.dma_semaphore, #tpu.memory_space<semaphore_mem>>)
      %dma_wait3A = arith.constant 0 : i32
      %dma_wait3A_31 = arith.constant 0 : i32
      %dma_wait3A_32 = tpu.memref_slice %arg2[%arg0, %arg1, %dma_wait3A, %dma_wait3A_31] : memref<2x16x80x128xi32, #tpu.memory_space<hbm>> -> memref<1x1x80x128xi32, #tpu.memory_space<hbm>>
      %dma_wait3A_33 = tpu.memref_squeeze %dma_wait3A_32 : memref<1x1x80x128xi32, #tpu.memory_space<hbm>> -> memref<80x128xi32, #tpu.memory_space<hbm>>
      %dma_wait3A_34 = arith.constant 0 : i32
      %dma_wait3A_35 = arith.constant 0 : i32
      %dma_wait3A_36 = tpu.memref_slice %arg2[%arg0, %arg1, %dma_wait3A_34, %dma_wait3A_35] : memref<2x16x80x128xi32, #tpu.memory_space<hbm>> -> memref<1x1x80x128xi32, #tpu.memory_space<hbm>>
      %dma_wait3A_37 = tpu.memref_squeeze %dma_wait3A_36 : memref<1x1x80x128xi32, #tpu.memory_space<hbm>> -> memref<80x128xi32, #tpu.memory_space<hbm>>
      tpu.wait_dma2 semaphore(%run_scoped3A : memref<!tpu.dma_semaphore, #tpu.memory_space<semaphore_mem>>) src(%dma_wait3A_37 : memref<80x128xi32, #tpu.memory_space<hbm>>) dst(%arg4 : memref<80x128xi32, #tpu.memory_space<vmem>>)
      tpu.yield
    }) : () -> ()
    %scan3A = arith.constant 0 : i32
    %scan3A_0 = arith.constant 0 : i32
    %scan3A_1 = arith.constant 128 : i32
    %scan3A_2 = arith.addi %scan3A_0, %scan3A_1 : i32
    %scan3A_3 = arith.constant 1 : i32
    %scan3A_4 = scf.for %scan3A_24 = %scan3A_0 to %scan3A_2 step %scan3A_3 iter_args(%scan3A_25 = %scan3A) -> (i32)  : i32 {
      %broadcast_in_dim3A = arith.constant 1.000000e+00 : f32
      %broadcast_in_dim3A_26 = vector.broadcast %broadcast_in_dim3A : f32 to vector<16xf32>
      %swap3A = arith.index_cast %scan3A_24 : i32 to index
      %swap3A_27 = arith.constant 0 : index
      %swap3A_28 = tpu.vector_load %arg5[%swap3A, %swap3A_27] {strides = array<i32>} : memref<128x16xf32, #tpu.memory_space<vmem>>, vector<1x16xf32>,
      %swap3A_29 = vector.shape_cast %swap3A_28 : vector<1x16xf32> to vector<16xf32>
      %swap3A_30 = vector.shape_cast %broadcast_in_dim3A_26 : vector<16xf32> to vector<1x16xf32>
      tpu.vector_store %arg5[%swap3A, %swap3A_27], %swap3A_30 {strides = array<i32>} : memref<128x16xf32, #tpu.memory_space<vmem>>, vector<1x16xf32>,
      %broadcast_in_dim3A_31 = arith.constant 0.000000e+00 : f32
      %broadcast_in_dim3A_32 = vector.broadcast %broadcast_in_dim3A_31 : f32 to vector<16xf32>
      %swap3A_33 = arith.index_cast %scan3A_24 : i32 to index
      %swap3A_34 = arith.constant 0 : index
      %swap3A_35 = tpu.vector_load %arg6[%swap3A_33, %swap3A_34] {strides = array<i32>} : memref<128x16xf32, #tpu.memory_space<vmem>>, vector<1x16xf32>,
      %swap3A_36 = vector.shape_cast %swap3A_35 : vector<1x16xf32> to vector<16xf32>
      %swap3A_37 = vector.shape_cast %broadcast_in_dim3A_32 : vector<16xf32> to vector<1x16xf32>
      tpu.vector_store %arg6[%swap3A_33, %swap3A_34], %swap3A_37 {strides = array<i32>} : memref<128x16xf32, #tpu.memory_space<vmem>>, vector<1x16xf32>,
      %scan3A_38 = arith.constant 0 : i32
      scf.yield %scan3A_38 : i32
    }
    %scan3A_5 = arith.constant 128 : i32
    %mul3A = arith.constant 640 : i32
    %mul3A_6 = arith.muli %arg1, %mul3A : i32
    %add3A = arith.constant 0 : i32
    %add3A_7 = arith.addi %mul3A_6, %add3A : i32
    "tpu.region"() ({
      %run_scoped3A = tpu.sem_alloc : memref<!tpu.dma_semaphore, #tpu.memory_space<semaphore_mem>>
      %dma_start3A = arith.constant 0 : i32
      %dma_start3A_24 = tpu.memref_slice %arg7[%add3A_7, %dma_start3A] : memref<10240x16xf32, #tpu.memory_space<vmem_shared>> -> memref<128x16xf32, #tpu.memory_space<vmem_shared>>
      %dma_start3A_25 = arith.constant 0 : i32
      %dma_start3A_26 = tpu.memref_slice %arg7[%add3A_7, %dma_start3A_25] : memref<10240x16xf32, #tpu.memory_space<vmem_shared>> -> memref<128x16xf32, #tpu.memory_space<vmem_shared>>
      tpu.enqueue_dma source(%arg6 : memref<128x16xf32, #tpu.memory_space<vmem>>) target(%dma_start3A_26 : memref<128x16xf32, #tpu.memory_space<vmem_shared>>) target_semaphore(%run_scoped3A : memref<!tpu.dma_semaphore, #tpu.memory_space<semaphore_mem>>)
      %dma_wait3A = arith.constant 0 : i32
      %dma_wait3A_27 = tpu.memref_slice %arg7[%add3A_7, %dma_wait3A] : memref<10240x16xf32, #tpu.memory_space<vmem_shared>> -> memref<128x16xf32, #tpu.memory_space<vmem_shared>>
      %dma_wait3A_28 = arith.constant 0 : i32
      %dma_wait3A_29 = tpu.memref_slice %arg7[%add3A_7, %dma_wait3A_28] : memref<10240x16xf32, #tpu.memory_space<vmem_shared>> -> memref<128x16xf32, #tpu.memory_space<vmem_shared>>
      tpu.wait_dma2 semaphore(%run_scoped3A : memref<!tpu.dma_semaphore, #tpu.memory_space<semaphore_mem>>) src(%arg6 : memref<128x16xf32, #tpu.memory_space<vmem>>) dst(%dma_wait3A_29 : memref<128x16xf32, #tpu.memory_space<vmem_shared>>)
      tpu.yield
    }) : () -> ()
    %add3A_8 = arith.constant 128 : i32
    %add3A_9 = arith.addi %mul3A_6, %add3A_8 : i32
    "tpu.region"() ({
      %run_scoped3A = tpu.sem_alloc : memref<!tpu.dma_semaphore, #tpu.memory_space<semaphore_mem>>
      %dma_start3A = arith.constant 0 : i32
      %dma_start3A_24 = tpu.memref_slice %arg7[%add3A_9, %dma_start3A] : memref<10240x16xf32, #tpu.memory_space<vmem_shared>> -> memref<128x16xf32, #tpu.memory_space<vmem_shared>>
      %dma_start3A_25 = arith.constant 0 : i32
      %dma_start3A_26 = tpu.memref_slice %arg7[%add3A_9, %dma_start3A_25] : memref<10240x16xf32, #tpu.memory_space<vmem_shared>> -> memref<128x16xf32, #tpu.memory_space<vmem_shared>>
      tpu.enqueue_dma source(%arg6 : memref<128x16xf32, #tpu.memory_space<vmem>>) target(%dma_start3A_26 : memref<128x16xf32, #tpu.memory_space<vmem_shared>>) target_semaphore(%run_scoped3A : memref<!tpu.dma_semaphore, #tpu.memory_space<semaphore_mem>>)
      %dma_wait3A = arith.constant 0 : i32
      %dma_wait3A_27 = tpu.memref_slice %arg7[%add3A_9, %dma_wait3A] : memref<10240x16xf32, #tpu.memory_space<vmem_shared>> -> memref<128x16xf32, #tpu.memory_space<vmem_shared>>
      %dma_wait3A_28 = arith.constant 0 : i32
      %dma_wait3A_29 = tpu.memref_slice %arg7[%add3A_9, %dma_wait3A_28] : memref<10240x16xf32, #tpu.memory_space<vmem_shared>> -> memref<128x16xf32, #tpu.memory_space<vmem_shared>>
      tpu.wait_dma2 semaphore(%run_scoped3A : memref<!tpu.dma_semaphore, #tpu.memory_space<semaphore_mem>>) src(%arg6 : memref<128x16xf32, #tpu.memory_space<vmem>>) dst(%dma_wait3A_29 : memref<128x16xf32, #tpu.memory_space<vmem_shared>>)
      tpu.yield
    }) : () -> ()
    %add3A_10 = arith.constant 256 : i32
    %add3A_11 = arith.addi %mul3A_6, %add3A_10 : i32
    "tpu.region"() ({
      %run_scoped3A = tpu.sem_alloc : memref<!tpu.dma_semaphore, #tpu.memory_space<semaphore_mem>>
      %dma_start3A = arith.constant 0 : i32
      %dma_start3A_24 = tpu.memref_slice %arg7[%add3A_11, %dma_start3A] : memref<10240x16xf32, #tpu.memory_space<vmem_shared>> -> memref<128x16xf32, #tpu.memory_space<vmem_shared>>
      %dma_start3A_25 = arith.constant 0 : i32
      %dma_start3A_26 = tpu.memref_slice %arg7[%add3A_11, %dma_start3A_25] : memref<10240x16xf32, #tpu.memory_space<vmem_shared>> -> memref<128x16xf32, #tpu.memory_space<vmem_shared>>
      tpu.enqueue_dma source(%arg6 : memref<128x16xf32, #tpu.memory_space<vmem>>) target(%dma_start3A_26 : memref<128x16xf32, #tpu.memory_space<vmem_shared>>) target_semaphore(%run_scoped3A : memref<!tpu.dma_semaphore, #tpu.memory_space<semaphore_mem>>)
      %dma_wait3A = arith.constant 0 : i32
      %dma_wait3A_27 = tpu.memref_slice %arg7[%add3A_11, %dma_wait3A] : memref<10240x16xf32, #tpu.memory_space<vmem_shared>> -> memref<128x16xf32, #tpu.memory_space<vmem_shared>>
      %dma_wait3A_28 = arith.constant 0 : i32
      %dma_wait3A_29 = tpu.memref_slice %arg7[%add3A_11, %dma_wait3A_28] : memref<10240x16xf32, #tpu.memory_space<vmem_shared>> -> memref<128x16xf32, #tpu.memory_space<vmem_shared>>
      tpu.wait_dma2 semaphore(%run_scoped3A : memref<!tpu.dma_semaphore, #tpu.memory_space<semaphore_mem>>) src(%arg6 : memref<128x16xf32, #tpu.memory_space<vmem>>) dst(%dma_wait3A_29 : memref<128x16xf32, #tpu.memory_space<vmem_shared>>)
      tpu.yield
    }) : () -> ()
    %add3A_12 = arith.constant 384 : i32
    %add3A_13 = arith.addi %mul3A_6, %add3A_12 : i32
    "tpu.region"() ({
      %run_scoped3A = tpu.sem_alloc : memref<!tpu.dma_semaphore, #tpu.memory_space<semaphore_mem>>
      %dma_start3A = arith.constant 0 : i32
      %dma_start3A_24 = tpu.memref_slice %arg7[%add3A_13, %dma_start3A] : memref<10240x16xf32, #tpu.memory_space<vmem_shared>> -> memref<128x16xf32, #tpu.memory_space<vmem_shared>>
      %dma_start3A_25 = arith.constant 0 : i32
      %dma_start3A_26 = tpu.memref_slice %arg7[%add3A_13, %dma_start3A_25] : memref<10240x16xf32, #tpu.memory_space<vmem_shared>> -> memref<128x16xf32, #tpu.memory_space<vmem_shared>>
      tpu.enqueue_dma source(%arg6 : memref<128x16xf32, #tpu.memory_space<vmem>>) target(%dma_start3A_26 : memref<128x16xf32, #tpu.memory_space<vmem_shared>>) target_semaphore(%run_scoped3A : memref<!tpu.dma_semaphore, #tpu.memory_space<semaphore_mem>>)
      %dma_wait3A = arith.constant 0 : i32
      %dma_wait3A_27 = tpu.memref_slice %arg7[%add3A_13, %dma_wait3A] : memref<10240x16xf32, #tpu.memory_space<vmem_shared>> -> memref<128x16xf32, #tpu.memory_space<vmem_shared>>
      %dma_wait3A_28 = arith.constant 0 : i32
      %dma_wait3A_29 = tpu.memref_slice %arg7[%add3A_13, %dma_wait3A_28] : memref<10240x16xf32, #tpu.memory_space<vmem_shared>> -> memref<128x16xf32, #tpu.memory_space<vmem_shared>>
      tpu.wait_dma2 semaphore(%run_scoped3A : memref<!tpu.dma_semaphore, #tpu.memory_space<semaphore_mem>>) src(%arg6 : memref<128x16xf32, #tpu.memory_space<vmem>>) dst(%dma_wait3A_29 : memref<128x16xf32, #tpu.memory_space<vmem_shared>>)
      tpu.yield
    }) : () -> ()
    %add3A_14 = arith.constant 512 : i32
    %add3A_15 = arith.addi %mul3A_6, %add3A_14 : i32
    "tpu.region"() ({
      %run_scoped3A = tpu.sem_alloc : memref<!tpu.dma_semaphore, #tpu.memory_space<semaphore_mem>>
      %dma_start3A = arith.constant 0 : i32
      %dma_start3A_24 = tpu.memref_slice %arg7[%add3A_15, %dma_start3A] : memref<10240x16xf32, #tpu.memory_space<vmem_shared>> -> memref<128x16xf32, #tpu.memory_space<vmem_shared>>
      %dma_start3A_25 = arith.constant 0 : i32
      %dma_start3A_26 = tpu.memref_slice %arg7[%add3A_15, %dma_start3A_25] : memref<10240x16xf32, #tpu.memory_space<vmem_shared>> -> memref<128x16xf32, #tpu.memory_space<vmem_shared>>
      tpu.enqueue_dma source(%arg6 : memref<128x16xf32, #tpu.memory_space<vmem>>) target(%dma_start3A_26 : memref<128x16xf32, #tpu.memory_space<vmem_shared>>) target_semaphore(%run_scoped3A : memref<!tpu.dma_semaphore, #tpu.memory_space<semaphore_mem>>)
      %dma_wait3A = arith.constant 0 : i32
      %dma_wait3A_27 = tpu.memref_slice %arg7[%add3A_15, %dma_wait3A] : memref<10240x16xf32, #tpu.memory_space<vmem_shared>> -> memref<128x16xf32, #tpu.memory_space<vmem_shared>>
      %dma_wait3A_28 = arith.constant 0 : i32
      %dma_wait3A_29 = tpu.memref_slice %arg7[%add3A_15, %dma_wait3A_28] : memref<10240x16xf32, #tpu.memory_space<vmem_shared>> -> memref<128x16xf32, #tpu.memory_space<vmem_shared>>
      tpu.wait_dma2 semaphore(%run_scoped3A : memref<!tpu.dma_semaphore, #tpu.memory_space<semaphore_mem>>) src(%arg6 : memref<128x16xf32, #tpu.memory_space<vmem>>) dst(%dma_wait3A_29 : memref<128x16xf32, #tpu.memory_space<vmem_shared>>)
      tpu.yield
    }) : () -> ()
    %barrier3A = arith.constant 0 : index
    tpu.barrier barrier_id(%barrier3A)
    %scan3A_16 = arith.constant 0 : i32
    %scan3A_17 = arith.constant 0 : i32
    %scan3A_18 = arith.constant 80 : i32
    %scan3A_19 = arith.addi %scan3A_17, %scan3A_18 : i32
    %scan3A_20 = arith.constant 1 : i32
    %scan3A_21 = scf.for %scan3A_24 = %scan3A_17 to %scan3A_19 step %scan3A_20 iter_args(%scan3A_25 = %scan3A_16) -> (i32)  : i32 {
      "tpu.region"() ({
        %run_scoped3A = tpu.sem_alloc : memref<!tpu.dma_semaphore, #tpu.memory_space<semaphore_mem>>
        %dma_start3A = arith.constant 0 : i32
        %dma_start3A_27 = tpu.memref_slice %arg4[%scan3A_24, %dma_start3A] : memref<80x128xi32, #tpu.memory_space<vmem>> -> memref<1x128xi32, #tpu.memory_space<vmem>>
        %dma_start3A_28 = tpu.memref_squeeze %dma_start3A_27 : memref<1x128xi32, #tpu.memory_space<vmem>> -> memref<128xi32, #tpu.memory_space<vmem>>
        %dma_start3A_29 = arith.constant 0 : i32
        %dma_start3A_30 = arith.constant 0 : i32
        %dma_start3A_31 = tpu.memref_slice %arg7[%dma_start3A_29, %dma_start3A_30] : memref<10240x16xf32, #tpu.memory_space<vmem_shared>> -> memref<10240x16xf32, #tpu.memory_space<vmem_shared>>
        tpu.enqueue_indirect_dma source(%arg5 : memref<128x16xf32, #tpu.memory_space<vmem>>) target(%dma_start3A_31 : memref<10240x16xf32, #tpu.memory_space<vmem_shared>>) offsets(%dma_start3A_28 : memref<128xi32, #tpu.memory_space<vmem>>) semaphore(%run_scoped3A : memref<!tpu.dma_semaphore, #tpu.memory_space<semaphore_mem>>) {add = true}
        %dma_wait3A = arith.constant 0 : i32
        %dma_wait3A_32 = tpu.memref_slice %arg4[%scan3A_24, %dma_wait3A] : memref<80x128xi32, #tpu.memory_space<vmem>> -> memref<1x128xi32, #tpu.memory_space<vmem>>
        %dma_wait3A_33 = tpu.memref_squeeze %dma_wait3A_32 : memref<1x128xi32, #tpu.memory_space<vmem>> -> memref<128xi32, #tpu.memory_space<vmem>>
        %dma_wait3A_34 = arith.constant 0 : i32
        %dma_wait3A_35 = arith.constant 0 : i32
        %dma_wait3A_36 = tpu.memref_slice %arg7[%dma_wait3A_34, %dma_wait3A_35] : memref<10240x16xf32, #tpu.memory_space<vmem_shared>> -> memref<10240x16xf32, #tpu.memory_space<vmem_shared>>
        tpu.wait_indirect_dma semaphore(%run_scoped3A : memref<!tpu.dma_semaphore, #tpu.memory_space<semaphore_mem>>) src(%arg5 : memref<128x16xf32, #tpu.memory_space<vmem>>) dst(%dma_wait3A_36 : memref<10240x16xf32, #tpu.memory_space<vmem_shared>>)
        tpu.yield
      }) : () -> ()
      %scan3A_26 = arith.constant 0 : i32
      scf.yield %scan3A_26 : i32
    }
    %scan3A_22 = arith.constant 80 : i32
    %barrier3A_23 = arith.constant 0 : index
    tpu.barrier barrier_id(%barrier3A_23)
    "tpu.region"() ({
      %run_scoped3A = tpu.sem_alloc : memref<!tpu.dma_semaphore, #tpu.memory_space<semaphore_mem>>
      %dma_start3A = arith.constant 0 : i32
      %dma_start3A_24 = tpu.memref_slice %arg3[%arg0, %mul3A_6, %dma_start3A] : memref<2x10240x16xf32, #tpu.memory_space<hbm>> -> memref<1x640x16xf32, #tpu.memory_space<hbm>>
      %dma_start3A_25 = tpu.memref_squeeze %dma_start3A_24 : memref<1x640x16xf32, #tpu.memory_space<hbm>> -> memref<640x16xf32, #tpu.memory_space<hbm>>
      %dma_start3A_26 = arith.constant 0 : i32
      %dma_start3A_27 = tpu.memref_slice %arg7[%mul3A_6, %dma_start3A_26] : memref<10240x16xf32, #tpu.memory_space<vmem_shared>> -> memref<640x16xf32, #tpu.memory_space<vmem_shared>>
      tpu.enqueue_dma source(%dma_start3A_27 : memref<640x16xf32, #tpu.memory_space<vmem_shared>>) target(%dma_start3A_25 : memref<640x16xf32, #tpu.memory_space<hbm>>) target_semaphore(%run_scoped3A : memref<!tpu.dma_semaphore, #tpu.memory_space<semaphore_mem>>)
      %dma_wait3A = arith.constant 0 : i32
      %dma_wait3A_28 = tpu.memref_slice %arg3[%arg0, %mul3A_6, %dma_wait3A] : memref<2x10240x16xf32, #tpu.memory_space<hbm>> -> memref<1x640x16xf32, #tpu.memory_space<hbm>>
      %dma_wait3A_29 = tpu.memref_squeeze %dma_wait3A_28 : memref<1x640x16xf32, #tpu.memory_space<hbm>> -> memref<640x16xf32, #tpu.memory_space<hbm>>
      %dma_wait3A_30 = arith.constant 0 : i32
      %dma_wait3A_31 = tpu.memref_slice %arg7[%mul3A_6, %dma_wait3A_30] : memref<10240x16xf32, #tpu.memory_space<vmem_shared>> -> memref<640x16xf32, #tpu.memory_space<vmem_shared>>
      tpu.wait_dma2 semaphore(%run_scoped3A : memref<!tpu.dma_semaphore, #tpu.memory_space<semaphore_mem>>) src(%dma_wait3A_31 : memref<640x16xf32, #tpu.memory_space<vmem_shared>>) dst(%dma_wait3A_29 : memref<640x16xf32, #tpu.memory_space<hbm>>)
      tpu.yield
    }) : () -> ()
    return
  }
}

module attributes {stable_mosaic.version = 14 : i64} {
  func.func @_mm1_body(%arg0: i32, %arg1: memref<2x400x16xf32, #tpu.memory_space<vmem>>, %arg2: memref<400x128xf32, #tpu.memory_space<vmem>>, %arg3: memref<128x128xf32, #tpu.memory_space<vmem>>, %arg4: memref<2x400x64xf32, #tpu.memory_space<vmem>>, %arg5: memref<400x1xf32, #tpu.memory_space<vmem>>) attributes {dimension_semantics = [#tpu.dimension_semantics<arbitrary>], iteration_bounds = array<i64: 25>, scalar_prefetch = 0 : i64, scratch_operands = 0 : i64, tpu.core_type = #tpu.core_type<tc>, window_params = [{transform_indices = @transform_0, window_bounds = array<i64: 2, 400, 16>}, {transform_indices = @transform_1, window_bounds = array<i64: 400, 128>}, {pipeline_mode = #tpu.pipeline_mode<synchronous>, transform_indices = @transform_2, window_bounds = array<i64: 128, 128>}, {transform_indices = @transform_3, window_bounds = array<i64: 2, 400, 64>}, {transform_indices = @transform_4, window_bounds = array<i64: 400, 1>}]} {
    %get3A = arith.constant 0 : index
    %get3A_0 = arith.constant 0 : index
    %get3A_1 = arith.constant 0 : index
    %get3A_2 = vector.load %arg1[%get3A, %get3A_0, %get3A_1] : memref<2x400x16xf32, #tpu.memory_space<vmem>>, vector<1x400x16xf32>
    %get3A_3 = vector.shape_cast %get3A_2 : vector<1x400x16xf32> to vector<400x16xf32>
    %slice3A = vector.extract_strided_slice %get3A_3 {offsets = [0, 0], sizes = [400, 1], strides = [1, 1]} : vector<400x16xf32> to vector<400x1xf32>
    %get3A_4 = arith.constant 1 : index
    %get3A_5 = arith.constant 0 : index
    %get3A_6 = arith.constant 0 : index
    %get3A_7 = vector.load %arg1[%get3A_4, %get3A_5, %get3A_6] : memref<2x400x16xf32, #tpu.memory_space<vmem>>, vector<1x400x16xf32>
    %get3A_8 = vector.shape_cast %get3A_7 : vector<1x400x16xf32> to vector<400x16xf32>
    %slice3A_9 = vector.extract_strided_slice %get3A_8 {offsets = [0, 0], sizes = [400, 1], strides = [1, 1]} : vector<400x16xf32> to vector<400x1xf32>
    %add3A = arith.addf %slice3A, %slice3A_9 : vector<400x1xf32>
    %add3A_10 = arith.constant 1.000000e+00 : f32
    %add3A_11 = vector.broadcast %add3A_10 : f32 to vector<400x1xf32>
    %add3A_12 = arith.addf %add3A, %add3A_11 : vector<400x1xf32>
    %rsqrt3A = math.rsqrt %add3A_12 : vector<400x1xf32>
    %swap3A = arith.constant 0 : index
    %swap3A_13 = arith.constant 0 : index
    %swap3A_14 = vector.load %arg5[%swap3A, %swap3A_13] : memref<400x1xf32, #tpu.memory_space<vmem>>, vector<400x1xf32>
    tpu.vector_store %arg5[%swap3A, %swap3A_13], %rsqrt3A {strides = array<i32>} : memref<400x1xf32, #tpu.memory_space<vmem>>, vector<400x1xf32>,
    %get3A_15 = arith.constant 0 : index
    %get3A_16 = arith.constant 0 : index
    %get3A_17 = vector.load %arg2[%get3A_15, %get3A_16] : memref<400x128xf32, #tpu.memory_space<vmem>>, vector<400x128xf32>
    %get3A_18 = arith.constant 0 : index
    %get3A_19 = arith.constant 0 : index
    %get3A_20 = vector.load %arg3[%get3A_18, %get3A_19] : memref<128x128xf32, #tpu.memory_space<vmem>>, vector<128x128xf32>
    %dot_general3A = arith.constant dense<0.000000e+00> : vector<400x128xf32>
    %dot_general3A_21 = tpu.matmul %get3A_17, %get3A_20, %dot_general3A {dimension_numbers = #tpu.dot_dimension_numbers<[1], [0], [0], [1], [0, 0, 1, 1], [], []>, transpose_lhs_hint = false} : vector<400x128xf32>, vector<128x128xf32>, vector<400x128xf32> -> vector<400x128xf32>
    %mul3A = vector.broadcast %rsqrt3A : vector<400x1xf32> to vector<400x128xf32>
    %mul3A_22 = arith.mulf %mul3A, %dot_general3A_21 : vector<400x128xf32>
    %slice3A_23 = vector.extract_strided_slice %mul3A_22 {offsets = [0, 0], sizes = [400, 64], strides = [1, 1]} : vector<400x128xf32> to vector<400x64xf32>
    %swap3A_24 = arith.constant 0 : index
    %swap3A_25 = arith.constant 0 : index
    %swap3A_26 = arith.constant 0 : index
    %swap3A_27 = vector.load %arg4[%swap3A_24, %swap3A_25, %swap3A_26] : memref<2x400x64xf32, #tpu.memory_space<vmem>>, vector<1x400x64xf32>
    %swap3A_28 = vector.shape_cast %swap3A_27 : vector<1x400x64xf32> to vector<400x64xf32>
    %swap3A_29 = vector.shape_cast %slice3A_23 : vector<400x64xf32> to vector<1x400x64xf32>
    tpu.vector_store %arg4[%swap3A_24, %swap3A_25, %swap3A_26], %swap3A_29 {strides = array<i32>} : memref<2x400x64xf32, #tpu.memory_space<vmem>>, vector<1x400x64xf32>,
    %slice3A_30 = vector.extract_strided_slice %mul3A_22 {offsets = [0, 64], sizes = [400, 64], strides = [1, 1]} : vector<400x128xf32> to vector<400x64xf32>
    %swap3A_31 = arith.constant 1 : index
    %swap3A_32 = arith.constant 0 : index
    %swap3A_33 = arith.constant 0 : index
    %swap3A_34 = vector.load %arg4[%swap3A_31, %swap3A_32, %swap3A_33] : memref<2x400x64xf32, #tpu.memory_space<vmem>>, vector<1x400x64xf32>
    %swap3A_35 = vector.shape_cast %swap3A_34 : vector<1x400x64xf32> to vector<400x64xf32>
    %swap3A_36 = vector.shape_cast %slice3A_30 : vector<400x64xf32> to vector<1x400x64xf32>
    tpu.vector_store %arg4[%swap3A_31, %swap3A_32, %swap3A_33], %swap3A_36 {strides = array<i32>} : memref<2x400x64xf32, #tpu.memory_space<vmem>>, vector<1x400x64xf32>,
    return
  }
  func.func @transform_0(%arg0: i32) -> (i32, i32, i32) {
    %c0_i32 = arith.constant 0 : i32
    %c0_i32_0 = arith.constant 0 : i32
    %c0_i32_1 = arith.constant 0 : i32
    return %c0_i32, %arg0, %c0_i32_0 : i32, i32, i32
  }
  func.func @transform_1(%arg0: i32) -> (i32, i32) {
    %c0_i32 = arith.constant 0 : i32
    %c0_i32_0 = arith.constant 0 : i32
    return %arg0, %c0_i32 : i32, i32
  }
  func.func @transform_2(%arg0: i32) -> (i32, i32) {
    %c0_i32 = arith.constant 0 : i32
    %c0_i32_0 = arith.constant 0 : i32
    %c0_i32_1 = arith.constant 0 : i32
    return %c0_i32, %c0_i32_0 : i32, i32
  }
  func.func @transform_3(%arg0: i32) -> (i32, i32, i32) {
    %c0_i32 = arith.constant 0 : i32
    %c0_i32_0 = arith.constant 0 : i32
    %c0_i32_1 = arith.constant 0 : i32
    return %c0_i32, %arg0, %c0_i32_0 : i32, i32, i32
  }
  func.func @transform_4(%arg0: i32) -> (i32, i32) {
    %c0_i32 = arith.constant 0 : i32
    %c0_i32_0 = arith.constant 0 : i32
    return %arg0, %c0_i32 : i32, i32
  }
}

module attributes {stable_mosaic.version = 14 : i64} {
  func.func @_final_body(%arg0: i32, %arg1: memref<1x1x400x64xf32, #tpu.memory_space<vmem>>, %arg2: memref<1x1x400x64xf32, #tpu.memory_space<vmem>>, %arg3: memref<400x1xf32, #tpu.memory_space<vmem>>, %arg4: memref<1x64xf32, #tpu.memory_space<vmem>>, %arg5: memref<400x64xf32, #tpu.memory_space<vmem>>) attributes {dimension_semantics = [#tpu.dimension_semantics<arbitrary>], iteration_bounds = array<i64: 25>, scalar_prefetch = 0 : i64, scratch_operands = 0 : i64, tpu.core_type = #tpu.core_type<tc>, window_params = [{transform_indices = @transform_0, window_bounds = array<i64: 1, 1, 400, 64>}, {transform_indices = @transform_1, window_bounds = array<i64: 1, 1, 400, 64>}, {transform_indices = @transform_2, window_bounds = array<i64: 400, 1>}, {pipeline_mode = #tpu.pipeline_mode<synchronous>, transform_indices = @transform_3, window_bounds = array<i64: 1, 64>}, {transform_indices = @transform_4, window_bounds = array<i64: 400, 64>}]} {
    %get3A = arith.constant 0 : index
    %get3A_0 = arith.constant 0 : index
    %get3A_1 = vector.load %arg3[%get3A, %get3A_0] : memref<400x1xf32, #tpu.memory_space<vmem>>, vector<400x1xf32>
    %get3A_2 = arith.constant 0 : index
    %get3A_3 = arith.constant 0 : index
    %get3A_4 = arith.constant 0 : index
    %get3A_5 = arith.constant 0 : index
    %get3A_6 = vector.load %arg1[%get3A_2, %get3A_3, %get3A_4, %get3A_5] : memref<1x1x400x64xf32, #tpu.memory_space<vmem>>, vector<1x1x400x64xf32>
    %get3A_7 = vector.shape_cast %get3A_6 : vector<1x1x400x64xf32> to vector<400x64xf32>
    %get3A_8 = arith.constant 0 : index
    %get3A_9 = arith.constant 0 : index
    %get3A_10 = arith.constant 0 : index
    %get3A_11 = arith.constant 0 : index
    %get3A_12 = vector.load %arg2[%get3A_8, %get3A_9, %get3A_10, %get3A_11] : memref<1x1x400x64xf32, #tpu.memory_space<vmem>>, vector<1x1x400x64xf32>
    %get3A_13 = vector.shape_cast %get3A_12 : vector<1x1x400x64xf32> to vector<400x64xf32>
    %add3A = arith.addf %get3A_7, %get3A_13 : vector<400x64xf32>
    %mul3A = vector.broadcast %get3A_1 : vector<400x1xf32> to vector<400x64xf32>
    %mul3A_14 = arith.mulf %mul3A, %add3A : vector<400x64xf32>
    %get3A_15 = arith.constant 0 : index
    %get3A_16 = arith.constant 0 : index
    %get3A_17 = vector.load %arg4[%get3A_15, %get3A_16] : memref<1x64xf32, #tpu.memory_space<vmem>>, vector<1x64xf32>
    %add3A_18 = vector.broadcast %get3A_17 : vector<1x64xf32> to vector<400x64xf32>
    %add3A_19 = arith.addf %mul3A_14, %add3A_18 : vector<400x64xf32>
    %iota3A = tpu.iota {dimensions = array<i32: 1>} : vector<400x64xi32>
    %lt3A = arith.constant 40 : i32
    %lt3A_20 = vector.broadcast %lt3A : i32 to vector<400x64xi32>
    %lt3A_21 = arith.cmpi slt, %iota3A, %lt3A_20 : vector<400x64xi32>
    %jit3A = arith.constant -1.000000e+30 : f32
    %broadcast_in_dim3A = vector.broadcast %jit3A : f32 to vector<400x64xf32>
    %select_n3A = arith.select %lt3A_21, %add3A_19, %broadcast_in_dim3A : vector<400x64xi1>, vector<400x64xf32>
    %reduce_max3A = arith.constant dense<0xFF800000> : vector<400xf32>
    %reduce_max3A_22 = vector.multi_reduction <maximumf>, %select_n3A, %reduce_max3A [1] : vector<400x64xf32> to vector<400xf32>
    %broadcast_in_dim3A_23 = vector.shape_cast %reduce_max3A_22 : vector<400xf32> to vector<400x1xf32>
    %sub3A = vector.broadcast %broadcast_in_dim3A_23 : vector<400x1xf32> to vector<400x64xf32>
    %sub3A_24 = arith.subf %select_n3A, %sub3A : vector<400x64xf32>
    %exp3A = math.exp %sub3A_24 : vector<400x64xf32>
    %sub3A_25 = vector.broadcast %broadcast_in_dim3A_23 : vector<400x1xf32> to vector<400x64xf32>
    %sub3A_26 = arith.subf %select_n3A, %sub3A_25 : vector<400x64xf32>
    %reduce_sum3A = arith.constant dense<0.000000e+00> : vector<400xf32>
    %reduce_sum3A_27 = vector.multi_reduction <add>, %exp3A, %reduce_sum3A [1] : vector<400x64xf32> to vector<400xf32>
    %broadcast_in_dim3A_28 = vector.shape_cast %reduce_sum3A_27 : vector<400xf32> to vector<400x1xf32>
    %log3A = math.log %broadcast_in_dim3A_28 : vector<400x1xf32>
    %sub3A_29 = vector.broadcast %log3A : vector<400x1xf32> to vector<400x64xf32>
    %sub3A_30 = arith.subf %sub3A_26, %sub3A_29 : vector<400x64xf32>
    %swap3A = arith.constant 0 : index
    %swap3A_31 = arith.constant 0 : index
    %swap3A_32 = vector.load %arg5[%swap3A, %swap3A_31] : memref<400x64xf32, #tpu.memory_space<vmem>>, vector<400x64xf32>
    tpu.vector_store %arg5[%swap3A, %swap3A_31], %sub3A_30 {strides = array<i32>} : memref<400x64xf32, #tpu.memory_space<vmem>>, vector<400x64xf32>,
    return
  }
  func.func @transform_0(%arg0: i32) -> (i32, i32, i32, i32) {
    %c2_i32 = arith.constant 2 : i32
    %c0_i32 = arith.constant 0 : i32
    %c0_i32_0 = arith.constant 0 : i32
    %c0_i32_1 = arith.constant 0 : i32
    return %c2_i32, %c0_i32, %arg0, %c0_i32_0 : i32, i32, i32, i32
  }
  func.func @transform_1(%arg0: i32) -> (i32, i32, i32, i32) {
    %c2_i32 = arith.constant 2 : i32
    %c0_i32 = arith.constant 0 : i32
    %c0_i32_0 = arith.constant 0 : i32
    %c0_i32_1 = arith.constant 0 : i32
    return %c2_i32, %c0_i32, %arg0, %c0_i32_0 : i32, i32, i32, i32
  }
  func.func @transform_2(%arg0: i32) -> (i32, i32) {
    %c0_i32 = arith.constant 0 : i32
    %c0_i32_0 = arith.constant 0 : i32
    return %arg0, %c0_i32 : i32, i32
  }
  func.func @transform_3(%arg0: i32) -> (i32, i32) {
    %c0_i32 = arith.constant 0 : i32
    %c0_i32_0 = arith.constant 0 : i32
    %c0_i32_1 = arith.constant 0 : i32
    return %c0_i32, %c0_i32_0 : i32, i32
  }
  func.func @transform_4(%arg0: i32) -> (i32, i32) {
    %c0_i32 = arith.constant 0 : i32
    %c0_i32_0 = arith.constant 0 : i32
    return %arg0, %c0_i32 : i32, i32
  }
}

module attributes {stable_mosaic.version = 14 : i64} {
  func.func @_layer_body(%arg0: i32, %arg1: memref<2x400x64xf32, #tpu.memory_space<vmem>>, %arg2: memref<2x400x64xf32, #tpu.memory_space<vmem>>, %arg3: memref<400x1xf32, #tpu.memory_space<vmem>>, %arg4: memref<1x128xf32, #tpu.memory_space<vmem>>, %arg5: memref<128x128xf32, #tpu.memory_space<vmem>>, %arg6: memref<2x400x64xf32, #tpu.memory_space<vmem>>) attributes {dimension_semantics = [#tpu.dimension_semantics<arbitrary>], iteration_bounds = array<i64: 25>, scalar_prefetch = 0 : i64, scratch_operands = 0 : i64, tpu.core_type = #tpu.core_type<tc>, window_params = [{transform_indices = @transform_0, window_bounds = array<i64: 2, 400, 64>}, {transform_indices = @transform_1, window_bounds = array<i64: 2, 400, 64>}, {transform_indices = @transform_2, window_bounds = array<i64: 400, 1>}, {pipeline_mode = #tpu.pipeline_mode<synchronous>, transform_indices = @transform_3, window_bounds = array<i64: 1, 128>}, {pipeline_mode = #tpu.pipeline_mode<synchronous>, transform_indices = @transform_4, window_bounds = array<i64: 128, 128>}, {transform_indices = @transform_5, window_bounds = array<i64: 2, 400, 64>}]} {
    %get3A = arith.constant 0 : index
    %get3A_0 = arith.constant 0 : index
    %get3A_1 = vector.load %arg3[%get3A, %get3A_0] : memref<400x1xf32, #tpu.memory_space<vmem>>, vector<400x1xf32>
    %get3A_2 = arith.constant 0 : index
    %get3A_3 = arith.constant 0 : index
    %get3A_4 = arith.constant 0 : index
    %get3A_5 = vector.load %arg1[%get3A_2, %get3A_3, %get3A_4] : memref<2x400x64xf32, #tpu.memory_space<vmem>>, vector<1x400x64xf32>
    %get3A_6 = vector.shape_cast %get3A_5 : vector<1x400x64xf32> to vector<400x64xf32>
    %get3A_7 = arith.constant 0 : index
    %get3A_8 = arith.constant 0 : index
    %get3A_9 = arith.constant 0 : index
    %get3A_10 = vector.load %arg2[%get3A_7, %get3A_8, %get3A_9] : memref<2x400x64xf32, #tpu.memory_space<vmem>>, vector<1x400x64xf32>
    %get3A_11 = vector.shape_cast %get3A_10 : vector<1x400x64xf32> to vector<400x64xf32>
    %add3A = arith.addf %get3A_6, %get3A_11 : vector<400x64xf32>
    %get3A_12 = arith.constant 1 : index
    %get3A_13 = arith.constant 0 : index
    %get3A_14 = arith.constant 0 : index
    %get3A_15 = vector.load %arg1[%get3A_12, %get3A_13, %get3A_14] : memref<2x400x64xf32, #tpu.memory_space<vmem>>, vector<1x400x64xf32>
    %get3A_16 = vector.shape_cast %get3A_15 : vector<1x400x64xf32> to vector<400x64xf32>
    %get3A_17 = arith.constant 1 : index
    %get3A_18 = arith.constant 0 : index
    %get3A_19 = arith.constant 0 : index
    %get3A_20 = vector.load %arg2[%get3A_17, %get3A_18, %get3A_19] : memref<2x400x64xf32, #tpu.memory_space<vmem>>, vector<1x400x64xf32>
    %get3A_21 = vector.shape_cast %get3A_20 : vector<1x400x64xf32> to vector<400x64xf32>
    %add3A_22 = arith.addf %get3A_16, %get3A_21 : vector<400x64xf32>
    %concatenate3A = tpu.concatenate %add3A, %add3A_22 in 1 : vector<400x64xf32>, vector<400x64xf32> -> vector<400x128xf32>
    %mul3A = vector.broadcast %get3A_1 : vector<400x1xf32> to vector<400x128xf32>
    %mul3A_23 = arith.mulf %mul3A, %concatenate3A : vector<400x128xf32>
    %get3A_24 = arith.constant 0 : index
    %get3A_25 = arith.constant 0 : index
    %get3A_26 = vector.load %arg4[%get3A_24, %get3A_25] : memref<1x128xf32, #tpu.memory_space<vmem>>, vector<1x128xf32>
    %add3A_27 = vector.broadcast %get3A_26 : vector<1x128xf32> to vector<400x128xf32>
    %add3A_28 = arith.addf %mul3A_23, %add3A_27 : vector<400x128xf32>
    %max3A = arith.constant 0.000000e+00 : f32
    %max3A_29 = vector.broadcast %max3A : f32 to vector<400x128xf32>
    %max3A_30 = arith.maximumf %add3A_28, %max3A_29 : vector<400x128xf32>
    %get3A_31 = arith.constant 0 : index
    %get3A_32 = arith.constant 0 : index
    %get3A_33 = vector.load %arg5[%get3A_31, %get3A_32] : memref<128x128xf32, #tpu.memory_space<vmem>>, vector<128x128xf32>
    %dot_general3A = arith.constant dense<0.000000e+00> : vector<400x128xf32>
    %dot_general3A_34 = tpu.matmul %max3A_30, %get3A_33, %dot_general3A {dimension_numbers = #tpu.dot_dimension_numbers<[1], [0], [0], [1], [0, 0, 1, 1], [], []>, transpose_lhs_hint = false} : vector<400x128xf32>, vector<128x128xf32>, vector<400x128xf32> -> vector<400x128xf32>
    %mul3A_35 = vector.broadcast %get3A_1 : vector<400x1xf32> to vector<400x128xf32>
    %mul3A_36 = arith.mulf %mul3A_35, %dot_general3A_34 : vector<400x128xf32>
    %slice3A = vector.extract_strided_slice %mul3A_36 {offsets = [0, 0], sizes = [400, 64], strides = [1, 1]} : vector<400x128xf32> to vector<400x64xf32>
    %swap3A = arith.constant 0 : index
    %swap3A_37 = arith.constant 0 : index
    %swap3A_38 = arith.constant 0 : index
    %swap3A_39 = vector.load %arg6[%swap3A, %swap3A_37, %swap3A_38] : memref<2x400x64xf32, #tpu.memory_space<vmem>>, vector<1x400x64xf32>
    %swap3A_40 = vector.shape_cast %swap3A_39 : vector<1x400x64xf32> to vector<400x64xf32>
    %swap3A_41 = vector.shape_cast %slice3A : vector<400x64xf32> to vector<1x400x64xf32>
    tpu.vector_store %arg6[%swap3A, %swap3A_37, %swap3A_38], %swap3A_41 {strides = array<i32>} : memref<2x400x64xf32, #tpu.memory_space<vmem>>, vector<1x400x64xf32>,
    %slice3A_42 = vector.extract_strided_slice %mul3A_36 {offsets = [0, 64], sizes = [400, 64], strides = [1, 1]} : vector<400x128xf32> to vector<400x64xf32>
    %swap3A_43 = arith.constant 1 : index
    %swap3A_44 = arith.constant 0 : index
    %swap3A_45 = arith.constant 0 : index
    %swap3A_46 = vector.load %arg6[%swap3A_43, %swap3A_44, %swap3A_45] : memref<2x400x64xf32, #tpu.memory_space<vmem>>, vector<1x400x64xf32>
    %swap3A_47 = vector.shape_cast %swap3A_46 : vector<1x400x64xf32> to vector<400x64xf32>
    %swap3A_48 = vector.shape_cast %slice3A_42 : vector<400x64xf32> to vector<1x400x64xf32>
    tpu.vector_store %arg6[%swap3A_43, %swap3A_44, %swap3A_45], %swap3A_48 {strides = array<i32>} : memref<2x400x64xf32, #tpu.memory_space<vmem>>, vector<1x400x64xf32>,
    return
  }
  func.func @transform_0(%arg0: i32) -> (i32, i32, i32) {
    %c0_i32 = arith.constant 0 : i32
    %c0_i32_0 = arith.constant 0 : i32
    %c0_i32_1 = arith.constant 0 : i32
    return %c0_i32, %arg0, %c0_i32_0 : i32, i32, i32
  }
  func.func @transform_1(%arg0: i32) -> (i32, i32, i32) {
    %c0_i32 = arith.constant 0 : i32
    %c0_i32_0 = arith.constant 0 : i32
    %c0_i32_1 = arith.constant 0 : i32
    return %c0_i32, %arg0, %c0_i32_0 : i32, i32, i32
  }
  func.func @transform_2(%arg0: i32) -> (i32, i32) {
    %c0_i32 = arith.constant 0 : i32
    %c0_i32_0 = arith.constant 0 : i32
    return %arg0, %c0_i32 : i32, i32
  }
  func.func @transform_3(%arg0: i32) -> (i32, i32) {
    %c0_i32 = arith.constant 0 : i32
    %c0_i32_0 = arith.constant 0 : i32
    %c0_i32_1 = arith.constant 0 : i32
    return %c0_i32, %c0_i32_0 : i32, i32
  }
  func.func @transform_4(%arg0: i32) -> (i32, i32) {
    %c0_i32 = arith.constant 0 : i32
    %c0_i32_0 = arith.constant 0 : i32
    %c0_i32_1 = arith.constant 0 : i32
    return %c0_i32, %c0_i32_0 : i32, i32
  }
  func.func @transform_5(%arg0: i32) -> (i32, i32, i32) {
    %c0_i32 = arith.constant 0 : i32
    %c0_i32_0 = arith.constant 0 : i32
    %c0_i32_1 = arith.constant 0 : i32
    return %c0_i32, %arg0, %c0_i32_0 : i32, i32, i32
  }
}

</mosaic_0001>

<sc_bundles>
// kernel: closed_call.14.cloned.1.call-start
scs
__scs_entry_jumppad:
0x0: {  	(pc) =	sbr.rel $0x88, $3  }
0x1: {  	(tag) =	ssettag $0x0;
	lr =	simm.s32 $0x1  }
0x2: {  	[smem:$0x3F99] =	sst lr;
	_ =	strace $0xD0000000  }
0x3: {  	_ = 	snop  }
0x4: {  	_ = 	snop  }
0x5: {  	_ = 	snop  }
0x6: {  	_ = 	snop  }
0x7: {  	_ = 	snop  }
__scs_overlays_trampoline_lowered:
0x8: {  	[smem:$0x3FA8] =	sst s0  }
0x9: {  	[smem:$0x3FA9] =	sst s1  }
0xa: {  	[smem:$0x3FAA] =	sst s2  }
0xb: {  	[smem:$0x3FAB] =	sst s3  }
0xc: {  	[smem:$0x3FAC] =	sst s4  }
0xd: {  	[smem:$0x3FAD] =	sst s5  }
0xe: {  	[smem:$0x3FAE] =	sst s6  }
0xf: {  	[smem:$0x3FAF] =	sst s7  }
0x10: {  	[smem:$0x3FB0] =	sst s8  }
0x11: {  	[smem:$0x3FB1] =	sst s9;
	s0 =	simm.s32 @!p0 $0x0  }
0x12: {  	s1 =	sld [smem:$0x3F97];
	s0 =	simm.s32 @p0 $0x1  }
0x13: {  	[smem:$0x3FB2] =	sst s0;
	s0 =	simm.s32 @!p1 $0x0  }
0x14: {  	s2 =	sld [smem:$0x3F96];
	s0 =	simm.s32 @p1 $0x1  }
0x15: {  	[smem:$0x3FB3] =	sst s0;
	s0 =	simm.s32 @!p2 $0x0  }
0x16: {  	s3 =	sld [smem:$0x3FDB];
	s0 =	simm.s32 @p2 $0x1  }
0x17: {  	s4 =	simm.s32 $0x1BF5;
	[smem:$0x3FB5] =	sst s0  }
0x18: {  	s0 =	sld [smem:$0x3F98];
	_ =	swait.ge [sflag:s4], $0x0  }
0x19: {  	s7 =	sld [smem:$0x3F99]  }
0x1a: {  	s8 =	sadd.s32 $0xFFFFE003, lr  }
0x1b: {  	s9 =	sadd.s32 $0xFFFFFEF7, lr;
	s5 =	simm.s32 $0xFFFFFFFF;
	p2 =	slt.u32 s8, $0xFFFFF086  }
0x1c: {  	p1 =	slt.u32 s9, $0xF7A;
	s5 =	simm.s32 @!p2 $0x0  }
0x1d: {  	s5 =	simm.s32 @p1 $0x1;
	p0 =	seq.s32 s7, s2  }
0x1e: {  	s7 =	smul.u32 @!p0 $0xF7A, s2;
	p2 =	seq.s32 @!p0 s5, $0x0  }
0x1f: {  	s9 =	smul.u32 $0xF7A, s1;
	s8 =	simm.s32 @!p0 $0x1BF5;
	p2 =	por !p2, p0  }
0x20: {  	[sflag:s8] =	ssyncset.s32 @!p0 $0xFFFFF086;
	s6 =	sadd.s32 @!p0 s3, s7;
	s7 =	simm.s32 @!p0 $0x108  }
0x21: {  	s3 =	sadd.s32 s3, s9;
	s6 =	sadd.s32 @!p0 $0x88, s6;
	s7 =	simm.s32 @p2 $0x1082  }
0x22: {  	[simem:s7], [sflag:s8] =	dma.local @!p0 [hbm:s6], $0xF7A  }
0x23: {  	s9 =	sor.u32 $0xD0000000, s2;
	s6 =	simm.s32 $0x108;
	_ =	swait.ge @!p0 [sflag:s8], $0x0  }
0x24: {  	s3 =	sadd.s32 $0x88, s3;
	s6 =	simm.s32 @!p1 $0x1082;
	[sflag:s4] =	ssyncset.s32 $0xFFFFF086  }
0x25: {  	[simem:s6], [sflag:s4] =	dma.local [hbm:s3], $0xF7A  }
0x26: {  	[smem:$0x3F99] =	sst s1;
	(tag) =	ssettag s2;
	_ =	strace s9  }
0x27: {  	s1 =	sld [smem:$0x3FA9]  }
0x28: {  	s2 =	sld [smem:$0x3FAA]  }
0x29: {  	s4 =	sld [smem:$0x3FAC]  }
0x2a: {  	p0 =	seq.s32 s5, $0x0;
	s5 =	sld [smem:$0x3FAD]  }
0x2b: {  	s6 =	sld [smem:$0x3FAE]  }
0x2c: {  	s7 =	sld [smem:$0x3FAF]  }
0x2d: {  	s3 =	simm.s32 $0x108;
	s8 =	sld [smem:$0x3FB0]  }
0x2e: {  	s3 =	simm.s32 @!p0 $0x1082;
	s9 =	sld [smem:$0x3FB1]  }
0x2f: {  	lr =	sadd.s32 s0, s3;
	s0 =	sld [smem:$0x3FA8]  }
0x30: {  	s3 =	sld [smem:$0x3FAB]  }
0x31: {  	[smem:$0x3FB4] =	sst s10  }
0x32: {  	s10 =	sld [smem:$0x3FB2];
	_ =	sdelay $0x3  }
0x33: {  	p0 =	seq.s32 s10, $0x1;
	s10 =	sld [smem:$0x3FB4];
	_ =	sdelay $0x3  }
0x34: {  	[smem:$0x3FB4] =	sst s10  }
0x35: {  	s10 =	sld [smem:$0x3FB3];
	_ =	sdelay $0x3  }
0x36: {  	p1 =	seq.s32 s10, $0x1;
	s10 =	sld [smem:$0x3FB4];
	_ =	sdelay $0x3  }
0x37: {  	[smem:$0x3FB4] =	sst s10  }
0x38: {  	s10 =	sld [smem:$0x3FB5]  }
0x39: {  	_ = 	snop;
	(pc) =	sbr.ind lr, $3  }
0x3a: {  	_ = 	snop  }
0x3b: {  	_ = 	snop  }
0x3c: {  	p2 =	seq.s32 s10, $0x1;
	s10 =	sld [smem:$0x3FB4]  }
0x3d: {  	_ =	shalt  }
0x3e: {  	_ =	shalt  }
0x3f: {  	_ =	shalt  }
0x40: {  	_ =	shalt  }
0x41: {  	_ =	shalt  }
0x42: {  	_ =	shalt  }
0x43: {  	_ =	shalt  }
0x44: {  	_ =	shalt  }
0x45: {  	_ =	shalt  }
0x46: {  	_ =	shalt  }
0x47: {  	_ =	shalt  }
0x48: {  	_ =	shalt  }
0x49: {  	_ =	shalt  }
0x4a: {  	_ =	shalt  }
0x4b: {  	_ =	shalt  }
0x4c: {  	_ =	shalt  }
0x4d: {  	_ =	shalt  }
0x4e: {  	_ =	shalt  }
0x4f: {  	_ =	shalt  }
0x50: {  	_ =	shalt  }
0x51: {  	_ =	shalt  }
0x52: {  	_ =	shalt  }
0x53: {  	_ =	shalt  }
0x54: {  	_ =	shalt  }
0x55: {  	_ =	shalt  }
0x56: {  	_ =	shalt  }
0x57: {  	_ =	shalt  }
0x58: {  	_ =	shalt  }
0x59: {  	_ =	shalt  }
0x5a: {  	_ =	shalt  }
0x5b: {  	_ =	shalt  }
0x5c: {  	_ =	shalt  }
0x5d: {  	_ =	shalt  }
0x5e: {  	_ =	shalt  }
0x5f: {  	_ =	shalt  }
0x60: {  	_ =	shalt  }
0x61: {  	_ =	shalt  }
0x62: {  	_ =	shalt  }
0x63: {  	_ =	shalt  }
0x64: {  	_ =	shalt  }
0x65: {  	_ =	shalt  }
0x66: {  	_ =	shalt  }
0x67: {  	_ =	shalt  }
0x68: {  	_ =	shalt  }
0x69: {  	_ =	shalt  }
0x6a: {  	_ =	shalt  }
0x6b: {  	_ =	shalt  }
0x6c: {  	_ =	shalt  }
0x6d: {  	_ =	shalt  }
0x6e: {  	_ =	shalt  }
0x6f: {  	_ =	shalt  }
0x70: {  	_ =	shalt  }
0x71: {  	_ =	shalt  }
0x72: {  	_ =	shalt  }
0x73: {  	_ =	shalt  }
0x74: {  	_ =	shalt  }
0x75: {  	_ =	shalt  }
0x76: {  	_ =	shalt  }
0x77: {  	_ =	shalt  }
0x78: {  	_ =	shalt  }
0x79: {  	_ =	shalt  }
0x7a: {  	_ =	shalt  }
0x7b: {  	_ =	shalt  }
0x7c: {  	_ =	shalt  }
0x7d: {  	_ =	shalt  }
0x7e: {  	_ =	shalt  }
0x7f: {  	_ =	shalt  }
0x80: {  	_ =	shalt  }
0x81: {  	_ =	shalt  }
0x82: {  	_ =	shalt  }
0x83: {  	_ =	shalt  }
0x84: {  	_ =	shalt  }
0x85: {  	_ =	shalt  }
0x86: {  	_ =	shalt  }
0x87: {  	_ =	shalt  }
.Lfunc_end0:
.L_simem_size_0:
called_computation_lowered:
.L_overlay_start_0:
0x88: {  	s2 =	sld [smem:$0x3FD9]  }
0x89: {  	s3 =	sld [smem:$0x3FFE];
	_ =	sdelay $0x1  }
0x8a: {  	s1 =	srdreg.scid  }
0x8b: {  	s0 =	sand.u32 $0x1, s1  }
0x8c: {  	s17 =	sshll.u32 s0, $0xA;
	s2 =	sadd.s32 s3, s2  }
0x8d: {  	s2 =	sadd.s32 s2, s17  }
0x8e: {  	[smem:$0x3FC0] =	sst s2  }
0x8f: {  	_ = 	snop  }
0x90: {  	s2 =	sld [smem:$0x3FD0];
	(tm) =	ssettm $0x1  }
0x91: {  	s18 =	sld [smem:$0x3FFB];
	_ =	sdelay $0x3  }
0x92: {  	_ =	strace s18  }
0x93: {  	s3 =	sld [smem:$0x3FFC];
	_ =	sdelay $0x3  }
0x94: {  	_ =	strace s3  }
0x95: {  	s3 =	sld [smem:$0x3FFD];
	_ =	sdelay $0x3  }
0x96: {  	_ =	strace s3  }
0x97: {  	_ =	strace $0x8FFFFFFF  }
0x98: {  	s19 =	sld [smem:$0x3FDB];
	_ =	sdelay $0x1  }
0x99: {  	s4 =	simm.s32 $_scs_section_size  }
0x9a: {  	s5 =	simm.s32 $_size__tile_overlayer_lowered;
	s6 =	simm.s32 $_tile_overlayer_lowered  }
0x9b: {  	s22 =	simm.s32 $0x1BFF;
	s21 =	sshll.u32 s6, $0x1;
	s3 =	sadd.s32 s4, s19  }
0x9c: {  	s7 =	simm.s32 $0x0;
	s20 =	sshll.u32 s5, $0x1;
	s5 =	sadd.s32 s21, s3  }
0x9d: {  	[timem:s7], [sflag:s22] =	dma.local [hbm:s5], s20  }
0x9e: {  	_ =	swait.ge [sflag:s22], s20  }
0x9f: {  	s4 =	ssub.s32 $0x0, s20;
	[sflag:s22] =	ssyncset.done $0x0  }
0xa0: {  	[sflag:s22] =	ssyncadd.s32 s4;
	_ =	sdelay $0x1  }
0xa1: {  	s23 =	simm.s32 $0x1B8B  }
0xa2: {  	_ =	swait.ge [sflag:s23], $0x1  }
0xa3: {  	[sflag:s23] =	ssyncset.done $0x0  }
0xa4: {  	s25 =	simm.s32 $0x1B8E;
	s24 =	sld [smem:$0x3FFE];
	[sflag:s23] =	ssyncadd.s32 $0xFFFFFFFF  }
0xa5: {  	s26 =	simm.s32 $execute0_lowered;
	[smem:$0x3FD2] =	sst s25  }
0xa6: {  	s5 =	sshll.u32 s26, $0x1;
	_ =	strace $0x80000049;
	[dreg:$0x1] =	wrdreg $0xFFFFFFFF  }
0xa7: {  	s28 =	simm.s32 $_size_execute0_lowered;
	s3 =	sadd.s32 s3, s5;
	[dreg:$0x0] =	wrdreg $0x0  }
0xa8: {  	s5 =	sshll.u32 s28, $0x1;
	[dreg:$0x2] =	wrdreg s3  }
0xa9: {  	[dreg:$0x3] =	wrdreg s5  }
0xaa: {  	[dreg:$0x4] =	wrdreg $0xC0  }
0xab: {  	_ =	task [dreg:s7], $0x5FFFF  }
0xac: {  	[dreg:$0x1] =	wrdreg $0xFFFFFFFF  }
0xad: {  	[dreg:$0x0] =	wrdreg $0x60  }
0xae: {  	[dreg:$0x2] =	wrdreg s24  }
0xaf: {  	[dreg:$0x3] =	wrdreg s2  }
0xb0: {  	[dreg:$0x4] =	wrdreg $0x130000  }
0xb1: {  	[dreg:$0x5] =	wrdreg $0x90000  }
0xb2: {  	[dreg:$0x6] =	wrdreg $0x9  }
0xb3: {  	_ =	task.clear_ibuf [dreg:s7], $0x7FFFF;
	_ =	strace $0x90000049  }
0xb4: {  	s29 =	simm.s32 $0x9;
	_ =	strace $0x8000004B  }
0xb5: {  	_ =	swait.ge [sflag:s29], $0x1  }
0xb6: {  	[sflag:s29] =	ssyncadd.s32 $0xFFFFFFFF  }
0xb7: {  	_ =	strace $0x9000004B  }
0xb8: {  	_ =	sfence  }
0xb9: {  	s30 =	sld [smem:$0x0];
	_ =	sdelay $0x2  }
0xba: {  	s31 =	sshll.u32 s1, $0xD;
	s1 =	sshrl.u32 s1, $0x2  }
0xbb: {  	s3 =	sand.u32 $0x4000, s31;
	s1 =	sadd.s32 s1, s30  }
0xbc: {  	s0 =	sor.u32 s3, s0;
	s1 =	sshll.u32 s1, $0x11  }
0xbd: {  	s0 =	sor.u32 s1, s0  }
0xbe: {  	s0 =	sadd.s32 $0x8F2B, s0  }
0xbf: {  	[sflag:s0] =	ssyncadd.remote.s32 $0x1  }
0xc0: {  	_ =	sfence.sel $0xFFFF  }
0xc1: {  	[dreg:$0x0] =	wrdreg $0xFFFFFFFF;
	(pc) =	sbr.abs _section_cstart, $3  }
0xc2: {  	[dreg:$0x1] =	wrdreg $0xFFFFFFFF  }
0xc3: {  	_ =	task.clear_ibuf [dreg:s7], $0x2FFFF;
	_ =	strace $0x9FFFFFFF  }
0xc4: {  	(tm) =	ssettm $0x7FFFFFFF  }
0xc5: {  	_ =	shalt  }
tec
execute0_lowered:
.L_overlay_start_1:
0x0: {  	(tag) =	ssettag $0x1  }
0x1: {  	s0 =	rddreg [dreg:$0x0]  }
0x2: {  	s1 =	rddreg [dreg:$0x1];
	s12 =	stileid.u32  }
0x3: {  	s3 =	srdreg.scid;
	s6 =	smul.u32 $0x9C40, s12  }
0x4: {  	s2 =	rddreg [dreg:$0x2];
	s8 =	simm.s32 $0x0;
	s7 =	smul.u32 $0xA000, s12  }
0x5: {  	s28 =	simm.s32 $0x80;
	s29 =	simm.s32 $0x7000;
	s10 =	smul.u32 $0x2800, s12  }
0x6: {  	s30 =	simm.s32 $0x1;
	s4 =	sand.u32 $0x1, s3;
	s12 =	smul.u32 $0x28000, s12  }
0x7: {  	s31 =	simm.s32 $0x2;
	s3 =	rddreg [dreg:$0x3];
	s5 =	smul.u32 $0x9C400, s4  }
0x8: {  	[smem:$0x7FF] =	sst s8;
	s15 =	smul.u32 $0xA0000, s4;
	s4 =	ssub.s32 $0x2, s4  }
0x9: {  	s9 =	sadd.s32 $0x2000, s0;
	_ =	strace $0x8000004A;
	s11 =	sshrl.u32 s4, $0x1  }
0xa: {  	s10 =	sshrl.u32 s10, $0x3;
	s18 =	sshrl.u32 s12, $0x2;
	s5 =	sadd.s32 s6, s5  }
0xb: {  	s8 =	sadd.s32 s7, s15;
	s4 =	ssub.s32 s4, s11;
	s16 =	sadd.s32 s9, s10  }
0xc: {  	s17 =	sadd.s32 s1, s10;
	s6 =	sadd.s32 s6, s2;
	s19 =	sadd.s32 s18, s3  }
0xd: {  	s23 =	sadd.s32 $0x280, s10;
	s25 =	sadd.s32 $0x5000, s10;
	s26 =	sadd.s32 $0x5280, s10  }
0xe: {  	s5 =	sshrl.u32 s5, $0x3;
	s8 =	sshrl.u32 s8, $0x3;
	[dreg:$0x5] =	wrdreg s16  }
0xf: {  	[dreg:$0x6] =	wrdreg s17;
	s20 =	sadd.s32 $0x2000, s19;
	s21 =	sadd.s32 $0x4000, s19  }
0x10: {  	s22 =	sadd.s32 $0x6000, s19;
	s24 =	sadd.s32 s9, s23;
	s14 =	sadd.s32 s1, s23  }
0x11: {  	s15 =	sadd.s32 s9, s25;
	s16 =	sadd.s32 s1, s25;
	s17 =	sadd.s32 s9, s26  }
0x12: {  	s18 =	sadd.s32 s1, s26;
	s23 =	sshrl.u32 s6, $0x3;
	s25 =	simm.s32 $0x1400  }
0x13: {  	s26 =	simm.s32 $0x3C00;
	s1 =	simm.s32 $0x3B00;
	[dreg:$0x8] =	wrdreg s20  }
0x14: {  	s6 =	simm.s32 $0x4F00;
	s9 =	simm.s32 $0x0;
	[dreg:$0x9] =	wrdreg s21  }
0x15: {  	s5 =	sadd.s32 s5, s0;
	s0 =	sadd.s32 s8, s0;
	[dreg:$0xa] =	wrdreg s22  }
0x16: {  	s8 =	sadd.s32 s7, s3;
	[dreg:$0xc] =	wrdreg s24;
	s20 =	smax.u32 s4, $0x1  }
0x17: {  	s21 =	simm.s32 $0x4;
	s22 =	simm.s32 $0x2800;
	s24 =	simm.s32 $0x5000  }
0x18: {  	s4 =	simm.s32 $0x3;
	s7 =	simm.s32 $0x4F80;
	s5 =	sadd.s32 $0x234C00, s5  }
0x19: {  	[dreg:$0x7] =	wrdreg s5;
	s5 =	sadd.s32 $0x8000, s19;
	s19 =	sadd.s32 $0x25BE00, s0  }
0x1a: {  	v0 =	vimm.f32 $0.0e+00;
	s0 =	simm.s32 $0x3B80;
	[dreg:$0xb] =	wrdreg s5;
	s5 =	simm.s32 $0x1480  }
.LBB2_1:
0x1b: {  	s10 =	simm.s32 $0x0;
	s11 =	rddreg [dreg:$0x5]  }
0x1c: {  	[tilespmem:s10], [sflag:$0x4] =	stream.linear.gather [hbm4b:s11+s10], $0x1400, $0x38;
	[tilespmem:$0x1CC40] =	vst v63  }
0x1d: {  	_ =	swait.ge [sflag:s21], $0x1400  }
0x1e: {  	[sflag:s21] =	ssyncset.done $0x0  }
0x1f: {  	s13 =	rddreg [dreg:$0x6];
	[sflag:s21] =	ssyncadd.s32 $0xFFFFEC00  }
0x20: {  	[tilespmem:s22], [sflag:$0x4] =	stream.linear.gather [hbm4b:s13+s10], $0x1400, $0x38;
	[tilespmem:$0x1CC40] =	vst v63  }
0x21: {  	s12 =	stileid.u32;
	_ =	swait.ge [sflag:s21], $0x1400  }
0x22: {  	s10 =	sshll.u32 s12, $0x6;
	[sflag:s21] =	ssyncset.done $0x0  }
0x23: {  	s10 =	sor.u32 $0x1C04, s10;
	s13 =	rddreg [dreg:$0x7];
	[sflag:s21] =	ssyncadd.s32 $0xFFFFEC00  }
0x24: {  	[spmem:s23], [sflag:s10] =	dma.local [hbm:s13], $0x1388  }
0x25: {  	_ =	swait.ge [sflag:s21], $0x1388  }
0x26: {  	[sflag:s21] =	ssyncset.done $0x0  }
0x27: {  	s11 =	simm.s32 $0x0;
	s12 =	simm.s32 $0x100;
	[sflag:s21] =	ssyncadd.s32 $0xFFFFEC78  }
.LBB2_2:
0x28: {  	p0 =	sne.s32 s12, $0x7F00;
	[tilespmem:s11+$0x5030] =	vst v0;
	s13 =	smov.u32 s12;
	s12 =	sadd.s32 $0x100, s12  }
.Ltmp0:
0x29: {  	[tilespmem:s11+$0x5020] =	vst v0;
	(pc) =	sbr.rel @p0 .LBB2_2-.Ltmp0, $3  }
0x2a: {  	[tilespmem:s11+$0x5000] =	vst v0  }
0x2b: {  	[tilespmem:s11+$0x5010] =	vst v0;
	_ =	sdelay $0x1  }
0x2c: {  	s11 =	sshra.s32 s13, $0x2  }
0x2d: {  	[tilespmem:s11+$0x5030] =	vst v0  }
0x2e: {  	[tilespmem:s11+$0x5020] =	vst v0  }
0x2f: {  	[tilespmem:s11+$0x5000] =	vst v0  }
0x30: {  	[tilespmem:s11+$0x5010] =	vst v0  }
0x31: {  	[spmem:s8] =	stream.linear.scatter [tilespmem:s24], [sflag:$0x4], $0x2000, $0x38;
	[tilespmem:$0x1CC40] =	vst v63  }
0x32: {  	_ =	swait.ge [sflag:s21], $0x2000  }
0x33: {  	[sflag:s21] =	ssyncset.done $0x0  }
0x34: {  	s13 =	rddreg [dreg:$0x8];
	[sflag:s21] =	ssyncadd.s32 $0xFFFFE000  }
0x35: {  	[spmem:s13] =	stream.linear.scatter [tilespmem:s24], [sflag:$0x4], $0x2000, $0x38;
	[tilespmem:$0x1CC40] =	vst v63  }
0x36: {  	_ =	swait.ge [sflag:s21], $0x2000  }
0x37: {  	[sflag:s21] =	ssyncset.done $0x0  }
0x38: {  	s12 =	rddreg [dreg:$0x9];
	[sflag:s21] =	ssyncadd.s32 $0xFFFFE000  }
0x39: {  	[spmem:s12] =	stream.linear.scatter [tilespmem:s24], [sflag:$0x4], $0x2000, $0x38;
	[tilespmem:$0x1CC40] =	vst v63  }
0x3a: {  	_ =	swait.ge [sflag:s21], $0x2000  }
0x3b: {  	[sflag:s21] =	ssyncset.done $0x0  }
0x3c: {  	s13 =	rddreg [dreg:$0xa];
	[sflag:s21] =	ssyncadd.s32 $0xFFFFE000  }
0x3d: {  	[spmem:s13] =	stream.linear.scatter [tilespmem:s24], [sflag:$0x4], $0x2000, $0x38;
	[tilespmem:$0x1CC40] =	vst v63  }
0x3e: {  	_ =	swait.ge [sflag:s21], $0x2000  }
0x3f: {  	[sflag:s21] =	ssyncset.done $0x0  }
0x40: {  	s12 =	rddreg [dreg:$0xb];
	[sflag:s21] =	ssyncadd.s32 $0xFFFFE000  }
0x41: {  	[spmem:s12] =	stream.linear.scatter [tilespmem:s24], [sflag:$0x4], $0x2000, $0x38;
	[tilespmem:$0x1CC40] =	vst v63  }
0x42: {  	_ =	swait.ge [sflag:s21], $0x2000  }
0x43: {  	[sflag:s21] =	ssyncset.done $0x0  }
0x44: {  	[sflag:s21] =	ssyncadd.s32 $0xFFFFE000  }
0x45: {  	[bflag:$0x0] =	sbarrier.arrive $0xFFFF  }
0x46: {  	s13 =	simm.s32 $0x0;
	s12 =	rddreg [dreg:$0xc]  }
0x47: {  	[tilespmem:s25], [sflag:$0x3] =	stream.linear.gather [hbm4b:s12+s13], $0x1400, $0x38;
	[tilespmem:$0x1CC40] =	vst v63  }
0x48: {  	_ = 	snop  }
0x49: {  	[tilespmem:s26], [sflag:$0x3] =	stream.linear.gather [hbm4b:s14+s13], $0x1400, $0x38;
	[tilespmem:$0x1CC40] =	vst v63  }
0x4a: {  	_ = 	snop  }
0x4b: {  	[tilespmem:s24], [sflag:$0x1] =	stream.indirect.gather [spmem:s2], $0x40, s13, s28, $0xb8;
	[tilespmem:$0x1CC40] =	vst v63  }
0x4c: {  	_ = 	snop  }
0x4d: {  	[tilespmem:s29], [sflag:$0x2] =	stream.indirect.gather [spmem:s2], $0x40, s28, s28, $0xb8;
	[tilespmem:$0x1CC40] =	vst v63  }
0x4e: {  	_ =	swait.ge [sflag:s30], $0x2000  }
0x4f: {  	[sflag:s30] =	ssyncset.done $0x0  }
0x50: {  	s13 =	simm.s32 $0x2800;
	[sflag:s30] =	ssyncadd.s32 $0xFFFFE000  }
0x51: {  	[spmem:s3] =	stream.indirect.scatter.add.f32 [tilespmem:s24], [sflag:$0x4], $0x40, s13, s28, $0xb8;
	[tilespmem:$0x1CC40] =	vst v63  }
0x52: {  	_ =	swait.ge [sflag:s21], $0x2000  }
0x53: {  	[sflag:s21] =	ssyncset.done $0x0  }
0x54: {  	s12 =	simm.s32 $0x100;
	[sflag:s21] =	ssyncadd.s32 $0xFFFFE000  }
0x55: {  	[tilespmem:s24], [sflag:$0x1] =	stream.indirect.gather [spmem:s2], $0x40, s12, s28, $0xb8;
	[tilespmem:$0x1CC40] =	vst v63  }
0x56: {  	_ =	swait.ge [sflag:s31], $0x2000  }
0x57: {  	[sflag:s31] =	ssyncset.done $0x0  }
0x58: {  	s13 =	simm.s32 $0x2880;
	[sflag:s31] =	ssyncadd.s32 $0xFFFFE000  }
0x59: {  	[spmem:s3] =	stream.indirect.scatter.add.f32 [tilespmem:s29], [sflag:$0x4], $0x40, s13, s28, $0xb8;
	[tilespmem:$0x1CC40] =	vst v63  }
0x5a: {  	_ =	swait.ge [sflag:s21], $0x2000  }
0x5b: {  	[sflag:s21] =	ssyncset.done $0x0  }
0x5c: {  	s11 =	simm.s32 $0x400;
	s12 =	simm.s32 $0x180;
	[sflag:s21] =	ssyncadd.s32 $0xFFFFE000  }
.LBB2_4:
0x5d: {  	[tilespmem:s29], [sflag:$0x2] =	stream.indirect.gather [spmem:s2], $0x40, s12, s28, $0xb8;
	[tilespmem:$0x1CC40] =	vst v63  }
0x5e: {  	s12 =	smov.u32 s11  }
0x5f: {  	p0 =	sne.s32 s11, $0x4800;
	s11 =	sadd.s32 $0x400, s11;
	_ =	swait.ge [sflag:s30], $0x2000  }
0x60: {  	s12 =	sshra.s32 s12, $0x2;
	[sflag:s30] =	ssyncset.done $0x0  }
0x61: {  	s13 =	sadd.s32 $0x2800, s12;
	[sflag:s30] =	ssyncadd.s32 $0xFFFFE000  }
0x62: {  	[spmem:s3] =	stream.indirect.scatter.add.f32 [tilespmem:s24], [sflag:$0x4], $0x40, s13, s28, $0xb8;
	[tilespmem:$0x1CC40] =	vst v63  }
0x63: {  	_ =	swait.ge [sflag:s21], $0x2000  }
0x64: {  	[sflag:s21] =	ssyncset.done $0x0  }
0x65: {  	s13 =	sadd.s32 $0x100, s12;
	[sflag:s21] =	ssyncadd.s32 $0xFFFFE000  }
0x66: {  	[tilespmem:s24], [sflag:$0x1] =	stream.indirect.gather [spmem:s2], $0x40, s13, s28, $0xb8;
	[tilespmem:$0x1CC40] =	vst v63  }
0x67: {  	_ =	swait.ge [sflag:s31], $0x2000  }
0x68: {  	[sflag:s31] =	ssyncset.done $0x0  }
.Ltmp1:
0x69: {  	s13 =	sadd.s32 $0x2880, s12;
	[sflag:s31] =	ssyncadd.s32 $0xFFFFE000;
	(pc) =	sbr.rel @p0 .LBB2_4-.Ltmp1, $4  }
0x6a: {  	[spmem:s3] =	stream.indirect.scatter.add.f32 [tilespmem:s29], [sflag:$0x4], $0x40, s13, s28, $0xb8;
	[tilespmem:$0x1CC40] =	vst v63  }
0x6b: {  	_ =	swait.ge [sflag:s21], $0x2000  }
0x6c: {  	[sflag:s21] =	ssyncset.done $0x0  }
0x6d: {  	s12 =	sadd.s32 $0x180, s12;
	[sflag:s21] =	ssyncadd.s32 $0xFFFFE000  }
0x6e: {  	[tilespmem:s29], [sflag:$0x2] =	stream.indirect.gather [spmem:s2], $0x40, s12, s28, $0xb8;
	[tilespmem:$0x1CC40] =	vst v63  }
0x6f: {  	_ =	swait.ge [sflag:s30], $0x2000  }
0x70: {  	[sflag:s30] =	ssyncset.done $0x0  }
0x71: {  	[sflag:s30] =	ssyncadd.s32 $0xFFFFE000  }
0x72: {  	[spmem:s3] =	stream.indirect.scatter.add.f32 [tilespmem:s24], [sflag:$0x4], $0x40, s1, s28, $0xb8;
	[tilespmem:$0x1CC40] =	vst v63  }
0x73: {  	_ =	swait.ge [sflag:s21], $0x2000  }
0x74: {  	[sflag:s21] =	ssyncset.done $0x0  }
0x75: {  	[sflag:s21] =	ssyncadd.s32 $0xFFFFE000  }
0x76: {  	_ =	swait.ge [sflag:s31], $0x2000  }
0x77: {  	[sflag:s31] =	ssyncset.done $0x0  }
0x78: {  	[sflag:s31] =	ssyncadd.s32 $0xFFFFE000  }
0x79: {  	[spmem:s3] =	stream.indirect.scatter.add.f32 [tilespmem:s29], [sflag:$0x4], $0x40, s0, s28, $0xb8;
	[tilespmem:$0x1CC40] =	vst v63  }
0x7a: {  	_ =	swait.ge [sflag:s21], $0x2000  }
0x7b: {  	[sflag:s21] =	ssyncset.done $0x0  }
0x7c: {  	[sflag:s21] =	ssyncadd.s32 $0xFFFFE000  }
0x7d: {  	_ =	swait.ge [sflag:s4], $0x1400  }
0x7e: {  	[sflag:s4] =	ssyncset.done $0x0  }
0x7f: {  	[sflag:s4] =	ssyncadd.s32 $0xFFFFEC00  }
0x80: {  	_ =	swait.ge [sflag:s4], $0x1400  }
0x81: {  	[sflag:s4] =	ssyncset.done $0x0  }
0x82: {  	s11 =	simm.s32 $0x0;
	[sflag:s4] =	ssyncadd.s32 $0xFFFFEC00  }
0x83: {  	[tilespmem:s11], [sflag:$0x3] =	stream.linear.gather [hbm4b:s15+s11], $0x1400, $0x38;
	[tilespmem:$0x1CC40] =	vst v63  }
0x84: {  	_ = 	snop  }
0x85: {  	[tilespmem:s22], [sflag:$0x3] =	stream.linear.gather [hbm4b:s16+s11], $0x1400, $0x38;
	[tilespmem:$0x1CC40] =	vst v63  }
0x86: {  	_ = 	snop  }
0x87: {  	[tilespmem:s24], [sflag:$0x1] =	stream.indirect.gather [spmem:s2], $0x40, s25, s28, $0xb8;
	[tilespmem:$0x1CC40] =	vst v63  }
0x88: {  	_ = 	snop  }
0x89: {  	[tilespmem:s29], [sflag:$0x2] =	stream.indirect.gather [spmem:s2], $0x40, s5, s28, $0xb8;
	[tilespmem:$0x1CC40] =	vst v63  }
0x8a: {  	_ =	swait.ge [sflag:s30], $0x2000  }
0x8b: {  	[sflag:s30] =	ssyncset.done $0x0  }
0x8c: {  	s13 =	simm.s32 $0x3C00;
	[sflag:s30] =	ssyncadd.s32 $0xFFFFE000  }
0x8d: {  	[spmem:s3] =	stream.indirect.scatter.add.f32 [tilespmem:s24], [sflag:$0x4], $0x40, s13, s28, $0xb8;
	[tilespmem:$0x1CC40] =	vst v63  }
0x8e: {  	_ =	swait.ge [sflag:s21], $0x2000  }
0x8f: {  	[sflag:s21] =	ssyncset.done $0x0  }
0x90: {  	s12 =	simm.s32 $0x1500;
	[sflag:s21] =	ssyncadd.s32 $0xFFFFE000  }
0x91: {  	[tilespmem:s24], [sflag:$0x1] =	stream.indirect.gather [spmem:s2], $0x40, s12, s28, $0xb8;
	[tilespmem:$0x1CC40] =	vst v63  }
0x92: {  	_ =	swait.ge [sflag:s31], $0x2000  }
0x93: {  	[sflag:s31] =	ssyncset.done $0x0  }
0x94: {  	s13 =	simm.s32 $0x3C80;
	[sflag:s31] =	ssyncadd.s32 $0xFFFFE000  }
0x95: {  	[spmem:s3] =	stream.indirect.scatter.add.f32 [tilespmem:s29], [sflag:$0x4], $0x40, s13, s28, $0xb8;
	[tilespmem:$0x1CC40] =	vst v63  }
0x96: {  	_ =	swait.ge [sflag:s21], $0x2000  }
0x97: {  	[sflag:s21] =	ssyncset.done $0x0  }
0x98: {  	s11 =	simm.s32 $0x400;
	s12 =	simm.s32 $0x1580;
	[sflag:s21] =	ssyncadd.s32 $0xFFFFE000  }
.LBB2_6:
0x99: {  	[tilespmem:s29], [sflag:$0x2] =	stream.indirect.gather [spmem:s2], $0x40, s12, s28, $0xb8;
	[tilespmem:$0x1CC40] =	vst v63  }
0x9a: {  	s12 =	smov.u32 s11  }
0x9b: {  	p0 =	sne.s32 s11, $0x4800;
	s11 =	sadd.s32 $0x400, s11;
	_ =	swait.ge [sflag:s30], $0x2000  }
0x9c: {  	s12 =	sshra.s32 s12, $0x2;
	[sflag:s30] =	ssyncset.done $0x0  }
0x9d: {  	s13 =	sadd.s32 $0x3C00, s12;
	[sflag:s30] =	ssyncadd.s32 $0xFFFFE000  }
0x9e: {  	[spmem:s3] =	stream.indirect.scatter.add.f32 [tilespmem:s24], [sflag:$0x4], $0x40, s13, s28, $0xb8;
	[tilespmem:$0x1CC40] =	vst v63  }
0x9f: {  	_ =	swait.ge [sflag:s21], $0x2000  }
0xa0: {  	[sflag:s21] =	ssyncset.done $0x0  }
0xa1: {  	s13 =	sadd.s32 $0x1500, s12;
	[sflag:s21] =	ssyncadd.s32 $0xFFFFE000  }
0xa2: {  	[tilespmem:s24], [sflag:$0x1] =	stream.indirect.gather [spmem:s2], $0x40, s13, s28, $0xb8;
	[tilespmem:$0x1CC40] =	vst v63  }
0xa3: {  	_ =	swait.ge [sflag:s31], $0x2000  }
0xa4: {  	[sflag:s31] =	ssyncset.done $0x0  }
.Ltmp2:
0xa5: {  	s13 =	sadd.s32 $0x3C80, s12;
	[sflag:s31] =	ssyncadd.s32 $0xFFFFE000;
	(pc) =	sbr.rel @p0 .LBB2_6-.Ltmp2, $4  }
0xa6: {  	[spmem:s3] =	stream.indirect.scatter.add.f32 [tilespmem:s29], [sflag:$0x4], $0x40, s13, s28, $0xb8;
	[tilespmem:$0x1CC40] =	vst v63  }
0xa7: {  	_ =	swait.ge [sflag:s21], $0x2000  }
0xa8: {  	[sflag:s21] =	ssyncset.done $0x0  }
0xa9: {  	s12 =	sadd.s32 $0x1580, s12;
	[sflag:s21] =	ssyncadd.s32 $0xFFFFE000  }
0xaa: {  	[tilespmem:s29], [sflag:$0x2] =	stream.indirect.gather [spmem:s2], $0x40, s12, s28, $0xb8;
	[tilespmem:$0x1CC40] =	vst v63  }
0xab: {  	_ =	swait.ge [sflag:s30], $0x2000  }
0xac: {  	[sflag:s30] =	ssyncset.done $0x0  }
0xad: {  	[sflag:s30] =	ssyncadd.s32 $0xFFFFE000  }
0xae: {  	[spmem:s3] =	stream.indirect.scatter.add.f32 [tilespmem:s24], [sflag:$0x4], $0x40, s6, s28, $0xb8;
	[tilespmem:$0x1CC40] =	vst v63  }
0xaf: {  	_ =	swait.ge [sflag:s21], $0x2000  }
0xb0: {  	[sflag:s21] =	ssyncset.done $0x0  }
0xb1: {  	[sflag:s21] =	ssyncadd.s32 $0xFFFFE000  }
0xb2: {  	_ =	swait.ge [sflag:s31], $0x2000  }
0xb3: {  	[sflag:s31] =	ssyncset.done $0x0  }
0xb4: {  	[sflag:s31] =	ssyncadd.s32 $0xFFFFE000  }
0xb5: {  	[spmem:s3] =	stream.indirect.scatter.add.f32 [tilespmem:s29], [sflag:$0x4], $0x40, s7, s28, $0xb8;
	[tilespmem:$0x1CC40] =	vst v63  }
0xb6: {  	_ =	swait.ge [sflag:s21], $0x2000  }
0xb7: {  	[sflag:s21] =	ssyncset.done $0x0  }
0xb8: {  	[sflag:s21] =	ssyncadd.s32 $0xFFFFE000  }
0xb9: {  	_ =	swait.ge [sflag:s4], $0x1400  }
0xba: {  	[sflag:s4] =	ssyncset.done $0x0  }
0xbb: {  	[sflag:s4] =	ssyncadd.s32 $0xFFFFEC00  }
0xbc: {  	_ =	swait.ge [sflag:s4], $0x1400  }
0xbd: {  	[sflag:s4] =	ssyncset.done $0x0  }
0xbe: {  	s11 =	simm.s32 $0x0;
	[sflag:s4] =	ssyncadd.s32 $0xFFFFEC00  }
0xbf: {  	[tilespmem:s25], [sflag:$0x3] =	stream.linear.gather [hbm4b:s17+s11], $0x1400, $0x38;
	[tilespmem:$0x1CC40] =	vst v63  }
0xc0: {  	_ = 	snop  }
0xc1: {  	[tilespmem:s26], [sflag:$0x3] =	stream.linear.gather [hbm4b:s18+s11], $0x1400, $0x38;
	[tilespmem:$0x1CC40] =	vst v63  }
0xc2: {  	_ = 	snop  }
0xc3: {  	[tilespmem:s24], [sflag:$0x1] =	stream.indirect.gather [spmem:s2], $0x40, s11, s28, $0xb8;
	[tilespmem:$0x1CC40] =	vst v63  }
0xc4: {  	_ = 	snop  }
0xc5: {  	[tilespmem:s29], [sflag:$0x2] =	stream.indirect.gather [spmem:s2], $0x40, s28, s28, $0xb8;
	[tilespmem:$0x1CC40] =	vst v63  }
0xc6: {  	_ =	swait.ge [sflag:s30], $0x2000  }
0xc7: {  	[sflag:s30] =	ssyncset.done $0x0  }
0xc8: {  	s13 =	simm.s32 $0x2800;
	[sflag:s30] =	ssyncadd.s32 $0xFFFFE000  }
0xc9: {  	[spmem:s3] =	stream.indirect.scatter.add.f32 [tilespmem:s24], [sflag:$0x4], $0x40, s13, s28, $0xb8;
	[tilespmem:$0x1CC40] =	vst v63  }
0xca: {  	_ =	swait.ge [sflag:s21], $0x2000  }
0xcb: {  	[sflag:s21] =	ssyncset.done $0x0  }
0xcc: {  	s12 =	simm.s32 $0x100;
	[sflag:s21] =	ssyncadd.s32 $0xFFFFE000  }
0xcd: {  	[tilespmem:s24], [sflag:$0x1] =	stream.indirect.gather [spmem:s2], $0x40, s12, s28, $0xb8;
	[tilespmem:$0x1CC40] =	vst v63  }
0xce: {  	_ =	swait.ge [sflag:s31], $0x2000  }
0xcf: {  	[sflag:s31] =	ssyncset.done $0x0  }
0xd0: {  	s13 =	simm.s32 $0x2880;
	[sflag:s31] =	ssyncadd.s32 $0xFFFFE000  }
0xd1: {  	[spmem:s3] =	stream.indirect.scatter.add.f32 [tilespmem:s29], [sflag:$0x4], $0x40, s13, s28, $0xb8;
	[tilespmem:$0x1CC40] =	vst v63  }
0xd2: {  	_ =	swait.ge [sflag:s21], $0x2000  }
0xd3: {  	[sflag:s21] =	ssyncset.done $0x0  }
0xd4: {  	s11 =	simm.s32 $0x400;
	s12 =	simm.s32 $0x180;
	[sflag:s21] =	ssyncadd.s32 $0xFFFFE000  }
.LBB2_8:
0xd5: {  	[tilespmem:s29], [sflag:$0x2] =	stream.indirect.gather [spmem:s2], $0x40, s12, s28, $0xb8;
	[tilespmem:$0x1CC40] =	vst v63  }
0xd6: {  	s12 =	smov.u32 s11  }
0xd7: {  	p0 =	sne.s32 s11, $0x4800;
	s11 =	sadd.s32 $0x400, s11;
	_ =	swait.ge [sflag:s30], $0x2000  }
0xd8: {  	s12 =	sshra.s32 s12, $0x2;
	[sflag:s30] =	ssyncset.done $0x0  }
0xd9: {  	s13 =	sadd.s32 $0x2800, s12;
	[sflag:s30] =	ssyncadd.s32 $0xFFFFE000  }
0xda: {  	[spmem:s3] =	stream.indirect.scatter.add.f32 [tilespmem:s24], [sflag:$0x4], $0x40, s13, s28, $0xb8;
	[tilespmem:$0x1CC40] =	vst v63  }
0xdb: {  	_ =	swait.ge [sflag:s21], $0x2000  }
0xdc: {  	[sflag:s21] =	ssyncset.done $0x0  }
0xdd: {  	s13 =	sadd.s32 $0x100, s12;
	[sflag:s21] =	ssyncadd.s32 $0xFFFFE000  }
0xde: {  	[tilespmem:s24], [sflag:$0x1] =	stream.indirect.gather [spmem:s2], $0x40, s13, s28, $0xb8;
	[tilespmem:$0x1CC40] =	vst v63  }
0xdf: {  	_ =	swait.ge [sflag:s31], $0x2000  }
0xe0: {  	[sflag:s31] =	ssyncset.done $0x0  }
.Ltmp3:
0xe1: {  	s13 =	sadd.s32 $0x2880, s12;
	[sflag:s31] =	ssyncadd.s32 $0xFFFFE000;
	(pc) =	sbr.rel @p0 .LBB2_8-.Ltmp3, $4  }
0xe2: {  	[spmem:s3] =	stream.indirect.scatter.add.f32 [tilespmem:s29], [sflag:$0x4], $0x40, s13, s28, $0xb8;
	[tilespmem:$0x1CC40] =	vst v63  }
0xe3: {  	_ =	swait.ge [sflag:s21], $0x2000  }
0xe4: {  	[sflag:s21] =	ssyncset.done $0x0  }
0xe5: {  	s12 =	sadd.s32 $0x180, s12;
	[sflag:s21] =	ssyncadd.s32 $0xFFFFE000  }
0xe6: {  	[tilespmem:s29], [sflag:$0x2] =	stream.indirect.gather [spmem:s2], $0x40, s12, s28, $0xb8;
	[tilespmem:$0x1CC40] =	vst v63  }
0xe7: {  	_ =	swait.ge [sflag:s30], $0x2000  }
0xe8: {  	[sflag:s30] =	ssyncset.done $0x0  }
0xe9: {  	[sflag:s30] =	ssyncadd.s32 $0xFFFFE000  }
0xea: {  	[spmem:s3] =	stream.indirect.scatter.add.f32 [tilespmem:s24], [sflag:$0x4], $0x40, s1, s28, $0xb8;
	[tilespmem:$0x1CC40] =	vst v63  }
0xeb: {  	_ =	swait.ge [sflag:s21], $0x2000  }
0xec: {  	[sflag:s21] =	ssyncset.done $0x0  }
0xed: {  	[sflag:s21] =	ssyncadd.s32 $0xFFFFE000  }
0xee: {  	_ =	swait.ge [sflag:s31], $0x2000  }
0xef: {  	[sflag:s31] =	ssyncset.done $0x0  }
0xf0: {  	[sflag:s31] =	ssyncadd.s32 $0xFFFFE000  }
0xf1: {  	[spmem:s3] =	stream.indirect.scatter.add.f32 [tilespmem:s29], [sflag:$0x4], $0x40, s0, s28, $0xb8;
	[tilespmem:$0x1CC40] =	vst v63  }
0xf2: {  	_ =	swait.ge [sflag:s21], $0x2000  }
0xf3: {  	[sflag:s21] =	ssyncset.done $0x0  }
0xf4: {  	[sflag:s21] =	ssyncadd.s32 $0xFFFFE000  }
0xf5: {  	_ =	swait.ge [sflag:s4], $0x1400  }
0xf6: {  	[sflag:s4] =	ssyncset.done $0x0  }
0xf7: {  	[sflag:s4] =	ssyncadd.s32 $0xFFFFEC00  }
0xf8: {  	_ =	swait.ge [sflag:s4], $0x1400  }
0xf9: {  	[sflag:s4] =	ssyncset.done $0x0  }
0xfa: {  	[sflag:s4] =	ssyncadd.s32 $0xFFFFEC00  }
0xfb: {  	[tilespmem:s24], [sflag:$0x1] =	stream.indirect.gather [spmem:s2], $0x40, s25, s28, $0xb8;
	[tilespmem:$0x1CC40] =	vst v63  }
0xfc: {  	_ = 	snop  }
0xfd: {  	[tilespmem:s29], [sflag:$0x2] =	stream.indirect.gather [spmem:s2], $0x40, s5, s28, $0xb8;
	[tilespmem:$0x1CC40] =	vst v63  }
0xfe: {  	_ =	swait.ge [sflag:s30], $0x2000  }
0xff: {  	[sflag:s30] =	ssyncset.done $0x0  }
0x100: {  	s11 =	simm.s32 $0x3C00;
	[sflag:s30] =	ssyncadd.s32 $0xFFFFE000  }
0x101: {  	[spmem:s3] =	stream.indirect.scatter.add.f32 [tilespmem:s24], [sflag:$0x4], $0x40, s11, s28, $0xb8;
	[tilespmem:$0x1CC40] =	vst v63  }
0x102: {  	_ =	swait.ge [sflag:s21], $0x2000  }
0x103: {  	[sflag:s21] =	ssyncset.done $0x0  }
0x104: {  	s12 =	simm.s32 $0x1500;
	[sflag:s21] =	ssyncadd.s32 $0xFFFFE000  }
0x105: {  	[tilespmem:s24], [sflag:$0x1] =	stream.indirect.gather [spmem:s2], $0x40, s12, s28, $0xb8;
	[tilespmem:$0x1CC40] =	vst v63  }
0x106: {  	_ =	swait.ge [sflag:s31], $0x2000  }
0x107: {  	[sflag:s31] =	ssyncset.done $0x0  }
0x108: {  	s13 =	simm.s32 $0x3C80;
	[sflag:s31] =	ssyncadd.s32 $0xFFFFE000  }
0x109: {  	[spmem:s3] =	stream.indirect.scatter.add.f32 [tilespmem:s29], [sflag:$0x4], $0x40, s13, s28, $0xb8;
	[tilespmem:$0x1CC40] =	vst v63  }
0x10a: {  	_ =	swait.ge [sflag:s21], $0x2000  }
0x10b: {  	[sflag:s21] =	ssyncset.done $0x0  }
0x10c: {  	s11 =	simm.s32 $0x400;
	s12 =	simm.s32 $0x1580;
	[sflag:s21] =	ssyncadd.s32 $0xFFFFE000  }
.LBB2_10:
0x10d: {  	[tilespmem:s29], [sflag:$0x2] =	stream.indirect.gather [spmem:s2], $0x40, s12, s28, $0xb8;
	[tilespmem:$0x1CC40] =	vst v63  }
0x10e: {  	s12 =	smov.u32 s11  }
0x10f: {  	p0 =	sne.s32 s11, $0x4800;
	s11 =	sadd.s32 $0x400, s11;
	_ =	swait.ge [sflag:s30], $0x2000  }
0x110: {  	s12 =	sshra.s32 s12, $0x2;
	[sflag:s30] =	ssyncset.done $0x0  }
0x111: {  	s13 =	sadd.s32 $0x3C00, s12;
	[sflag:s30] =	ssyncadd.s32 $0xFFFFE000  }
0x112: {  	[spmem:s3] =	stream.indirect.scatter.add.f32 [tilespmem:s24], [sflag:$0x4], $0x40, s13, s28, $0xb8;
	[tilespmem:$0x1CC40] =	vst v63  }
0x113: {  	_ =	swait.ge [sflag:s21], $0x2000  }
0x114: {  	[sflag:s21] =	ssyncset.done $0x0  }
0x115: {  	s13 =	sadd.s32 $0x1500, s12;
	[sflag:s21] =	ssyncadd.s32 $0xFFFFE000  }
0x116: {  	[tilespmem:s24], [sflag:$0x1] =	stream.indirect.gather [spmem:s2], $0x40, s13, s28, $0xb8;
	[tilespmem:$0x1CC40] =	vst v63  }
0x117: {  	_ =	swait.ge [sflag:s31], $0x2000  }
0x118: {  	[sflag:s31] =	ssyncset.done $0x0  }
.Ltmp4:
0x119: {  	s13 =	sadd.s32 $0x3C80, s12;
	[sflag:s31] =	ssyncadd.s32 $0xFFFFE000;
	(pc) =	sbr.rel @p0 .LBB2_10-.Ltmp4, $4  }
0x11a: {  	[spmem:s3] =	stream.indirect.scatter.add.f32 [tilespmem:s29], [sflag:$0x4], $0x40, s13, s28, $0xb8;
	[tilespmem:$0x1CC40] =	vst v63  }
0x11b: {  	_ =	swait.ge [sflag:s21], $0x2000  }
0x11c: {  	[sflag:s21] =	ssyncset.done $0x0  }
0x11d: {  	s12 =	sadd.s32 $0x1580, s12;
	[sflag:s21] =	ssyncadd.s32 $0xFFFFE000  }
0x11e: {  	[tilespmem:s29], [sflag:$0x2] =	stream.indirect.gather [spmem:s2], $0x40, s12, s28, $0xb8;
	[tilespmem:$0x1CC40] =	vst v63  }
0x11f: {  	_ =	swait.ge [sflag:s30], $0x2000  }
0x120: {  	[sflag:s30] =	ssyncset.done $0x0  }
0x121: {  	[sflag:s30] =	ssyncadd.s32 $0xFFFFE000  }
0x122: {  	[spmem:s3] =	stream.indirect.scatter.add.f32 [tilespmem:s24], [sflag:$0x4], $0x40, s6, s28, $0xb8;
	[tilespmem:$0x1CC40] =	vst v63  }
0x123: {  	_ =	swait.ge [sflag:s21], $0x2000  }
0x124: {  	[sflag:s21] =	ssyncset.done $0x0  }
0x125: {  	[sflag:s21] =	ssyncadd.s32 $0xFFFFE000  }
0x126: {  	_ =	swait.ge [sflag:s31], $0x2000  }
0x127: {  	[sflag:s31] =	ssyncset.done $0x0  }
0x128: {  	[sflag:s31] =	ssyncadd.s32 $0xFFFFE000  }
0x129: {  	[spmem:s3] =	stream.indirect.scatter.add.f32 [tilespmem:s29], [sflag:$0x4], $0x40, s7, s28, $0xb8;
	[tilespmem:$0x1CC40] =	vst v63  }
0x12a: {  	_ =	swait.ge [sflag:s21], $0x2000  }
0x12b: {  	s9 =	sadd.s32 $0x1, s9;
	[sflag:s21] =	ssyncset.done $0x0  }
0x12c: {  	p0 =	sne.s32 s9, s20;
	[sflag:s21] =	ssyncadd.s32 $0xFFFFE000  }
.Ltmp5:
0x12d: {  	s11 =	sshrl.u32 s8, $0x3;
	[bflag:$0x0] =	sbarrier.arrive $0xFFFF;
	(pc) =	sbr.rel @p0 .LBB2_1-.Ltmp5, $4  }
0x12e: {  	[hbm:s19], [sflag:s10] =	dma.local [spmem:s11], $0x1400  }
0x12f: {  	_ =	swait.ge [sflag:s21], $0x1400  }
0x130: {  	[sflag:s21] =	ssyncset.done $0x0  }
0x131: {  	[sflag:s21] =	ssyncadd.s32 $0xFFFFEC00  }
0x132: {  	_ =	sfence.sel $0x180000  }
0x133: {  	[bflag:$0x0] =	sbarrier.arrive $0xFFFF  }
0x134: {  	_ =	strace $0x9000004A  }
0x135: {  	s0 =	stileid.u32;
	[bflag:$0x2] =	sbarrier.arrive $0xFFFF  }
0x136: {  	p0 =	sne.s32 s0, $0x0;
	s0 =	rddreg [dreg:$0x4]  }
0x137: {  	s0 =	sadd.s32 @!p0 $0x100000, s0  }
0x138: {  	[sflag:s0] =	ssyncadd.tile.s32 @!p0 $0x1;
	_ =	shalt  }
.Lfunc_end2:
_tile_overlayer_lowered:
.L_overlay_start_2:
0x139: {  	(tag) =	ssettag $0x2  }
0x13a: {  	s0 =	rddreg [dreg:$0x0];
	s2 =	stileid.u32  }
0x13b: {  	s1 =	rddreg [dreg:$0x1];
	p0 =	sne.s32 s2, $0x0  }
0x13c: {  	s3 =	rddreg [dreg:$0x2];
	[bflag:$0x3] =	sbarrier.arrive $0xFFFF;
	s2 =	simm.s32 @!p0 $0x1C04  }
0x13d: {  	[timem:s3], [sflag:s2] =	dma.local @!p0 [hbm:s0], s1  }
0x13e: {  	s0 =	simm.s32 @!p0 $0x4  }
0x13f: {  	_ =	swait.ge @!p0 [sflag:s0], s1  }
0x140: {  	s1 =	ssub.s32 @!p0 $0x0, s1;
	[sflag:s0] =	ssyncset.done @!p0 $0x0  }
0x141: {  	[sflag:s0] =	ssyncadd.s32 @!p0 s1  }
0x142: {  	[bflag:$0x3] =	sbarrier.arrive $0xFFFF  }
0x143: {  	_ =	shalt  }

// kernel: kernel.5.cloned.1.call-start
scs
__scs_entry_jumppad:
0x0: {  	(pc) =	sbr.rel $0x88, $3  }
0x1: {  	(tag) =	ssettag $0x0;
	lr =	simm.s32 $0x1  }
0x2: {  	[smem:$0x3F99] =	sst lr;
	_ =	strace $0xD0000000  }
0x3: {  	_ = 	snop  }
0x4: {  	_ = 	snop  }
0x5: {  	_ = 	snop  }
0x6: {  	_ = 	snop  }
0x7: {  	_ = 	snop  }
__scs_overlays_trampoline_lowered:
0x8: {  	[smem:$0x3FA8] =	sst s0  }
0x9: {  	[smem:$0x3FA9] =	sst s1  }
0xa: {  	[smem:$0x3FAA] =	sst s2  }
0xb: {  	[smem:$0x3FAB] =	sst s3  }
0xc: {  	[smem:$0x3FAC] =	sst s4  }
0xd: {  	[smem:$0x3FAD] =	sst s5  }
0xe: {  	[smem:$0x3FAE] =	sst s6  }
0xf: {  	[smem:$0x3FAF] =	sst s7  }
0x10: {  	[smem:$0x3FB0] =	sst s8  }
0x11: {  	[smem:$0x3FB1] =	sst s9;
	s0 =	simm.s32 @!p0 $0x0  }
0x12: {  	s1 =	sld [smem:$0x3F97];
	s0 =	simm.s32 @p0 $0x1  }
0x13: {  	[smem:$0x3FB2] =	sst s0;
	s0 =	simm.s32 @!p1 $0x0  }
0x14: {  	s2 =	sld [smem:$0x3F96];
	s0 =	simm.s32 @p1 $0x1  }
0x15: {  	[smem:$0x3FB3] =	sst s0;
	s0 =	simm.s32 @!p2 $0x0  }
0x16: {  	s3 =	sld [smem:$0x3FDB];
	s0 =	simm.s32 @p2 $0x1  }
0x17: {  	s4 =	simm.s32 $0x1BF5;
	[smem:$0x3FB5] =	sst s0  }
0x18: {  	s0 =	sld [smem:$0x3F98];
	_ =	swait.ge [sflag:s4], $0x0  }
0x19: {  	s7 =	sld [smem:$0x3F99]  }
0x1a: {  	s8 =	sadd.s32 $0xFFFFE003, lr  }
0x1b: {  	s9 =	sadd.s32 $0xFFFFFEF7, lr;
	s5 =	simm.s32 $0xFFFFFFFF;
	p2 =	slt.u32 s8, $0xFFFFF086  }
0x1c: {  	p1 =	slt.u32 s9, $0xF7A;
	s5 =	simm.s32 @!p2 $0x0  }
0x1d: {  	s5 =	simm.s32 @p1 $0x1;
	p0 =	seq.s32 s7, s2  }
0x1e: {  	s7 =	smul.u32 @!p0 $0xF7A, s2;
	p2 =	seq.s32 @!p0 s5, $0x0  }
0x1f: {  	s9 =	smul.u32 $0xF7A, s1;
	s8 =	simm.s32 @!p0 $0x1BF5;
	p2 =	por !p2, p0  }
0x20: {  	[sflag:s8] =	ssyncset.s32 @!p0 $0xFFFFF086;
	s6 =	sadd.s32 @!p0 s3, s7;
	s7 =	simm.s32 @!p0 $0x108  }
0x21: {  	s3 =	sadd.s32 s3, s9;
	s6 =	sadd.s32 @!p0 $0x88, s6;
	s7 =	simm.s32 @p2 $0x1082  }
0x22: {  	[simem:s7], [sflag:s8] =	dma.local @!p0 [hbm:s6], $0xF7A  }
0x23: {  	s9 =	sor.u32 $0xD0000000, s2;
	s6 =	simm.s32 $0x108;
	_ =	swait.ge @!p0 [sflag:s8], $0x0  }
0x24: {  	s3 =	sadd.s32 $0x88, s3;
	s6 =	simm.s32 @!p1 $0x1082;
	[sflag:s4] =	ssyncset.s32 $0xFFFFF086  }
0x25: {  	[simem:s6], [sflag:s4] =	dma.local [hbm:s3], $0xF7A  }
0x26: {  	[smem:$0x3F99] =	sst s1;
	(tag) =	ssettag s2;
	_ =	strace s9  }
0x27: {  	s1 =	sld [smem:$0x3FA9]  }
0x28: {  	s2 =	sld [smem:$0x3FAA]  }
0x29: {  	s4 =	sld [smem:$0x3FAC]  }
0x2a: {  	p0 =	seq.s32 s5, $0x0;
	s5 =	sld [smem:$0x3FAD]  }
0x2b: {  	s6 =	sld [smem:$0x3FAE]  }
0x2c: {  	s7 =	sld [smem:$0x3FAF]  }
0x2d: {  	s3 =	simm.s32 $0x108;
	s8 =	sld [smem:$0x3FB0]  }
0x2e: {  	s3 =	simm.s32 @!p0 $0x1082;
	s9 =	sld [smem:$0x3FB1]  }
0x2f: {  	lr =	sadd.s32 s0, s3;
	s0 =	sld [smem:$0x3FA8]  }
0x30: {  	s3 =	sld [smem:$0x3FAB]  }
0x31: {  	[smem:$0x3FB4] =	sst s10  }
0x32: {  	s10 =	sld [smem:$0x3FB2];
	_ =	sdelay $0x3  }
0x33: {  	p0 =	seq.s32 s10, $0x1;
	s10 =	sld [smem:$0x3FB4];
	_ =	sdelay $0x3  }
0x34: {  	[smem:$0x3FB4] =	sst s10  }
0x35: {  	s10 =	sld [smem:$0x3FB3];
	_ =	sdelay $0x3  }
0x36: {  	p1 =	seq.s32 s10, $0x1;
	s10 =	sld [smem:$0x3FB4];
	_ =	sdelay $0x3  }
0x37: {  	[smem:$0x3FB4] =	sst s10  }
0x38: {  	s10 =	sld [smem:$0x3FB5]  }
0x39: {  	_ = 	snop;
	(pc) =	sbr.ind lr, $3  }
0x3a: {  	_ = 	snop  }
0x3b: {  	_ = 	snop  }
0x3c: {  	p2 =	seq.s32 s10, $0x1;
	s10 =	sld [smem:$0x3FB4]  }
0x3d: {  	_ =	shalt  }
0x3e: {  	_ =	shalt  }
0x3f: {  	_ =	shalt  }
0x40: {  	_ =	shalt  }
0x41: {  	_ =	shalt  }
0x42: {  	_ =	shalt  }
0x43: {  	_ =	shalt  }
0x44: {  	_ =	shalt  }
0x45: {  	_ =	shalt  }
0x46: {  	_ =	shalt  }
0x47: {  	_ =	shalt  }
0x48: {  	_ =	shalt  }
0x49: {  	_ =	shalt  }
0x4a: {  	_ =	shalt  }
0x4b: {  	_ =	shalt  }
0x4c: {  	_ =	shalt  }
0x4d: {  	_ =	shalt  }
0x4e: {  	_ =	shalt  }
0x4f: {  	_ =	shalt  }
0x50: {  	_ =	shalt  }
0x51: {  	_ =	shalt  }
0x52: {  	_ =	shalt  }
0x53: {  	_ =	shalt  }
0x54: {  	_ =	shalt  }
0x55: {  	_ =	shalt  }
0x56: {  	_ =	shalt  }
0x57: {  	_ =	shalt  }
0x58: {  	_ =	shalt  }
0x59: {  	_ =	shalt  }
0x5a: {  	_ =	shalt  }
0x5b: {  	_ =	shalt  }
0x5c: {  	_ =	shalt  }
0x5d: {  	_ =	shalt  }
0x5e: {  	_ =	shalt  }
0x5f: {  	_ =	shalt  }
0x60: {  	_ =	shalt  }
0x61: {  	_ =	shalt  }
0x62: {  	_ =	shalt  }
0x63: {  	_ =	shalt  }
0x64: {  	_ =	shalt  }
0x65: {  	_ =	shalt  }
0x66: {  	_ =	shalt  }
0x67: {  	_ =	shalt  }
0x68: {  	_ =	shalt  }
0x69: {  	_ =	shalt  }
0x6a: {  	_ =	shalt  }
0x6b: {  	_ =	shalt  }
0x6c: {  	_ =	shalt  }
0x6d: {  	_ =	shalt  }
0x6e: {  	_ =	shalt  }
0x6f: {  	_ =	shalt  }
0x70: {  	_ =	shalt  }
0x71: {  	_ =	shalt  }
0x72: {  	_ =	shalt  }
0x73: {  	_ =	shalt  }
0x74: {  	_ =	shalt  }
0x75: {  	_ =	shalt  }
0x76: {  	_ =	shalt  }
0x77: {  	_ =	shalt  }
0x78: {  	_ =	shalt  }
0x79: {  	_ =	shalt  }
0x7a: {  	_ =	shalt  }
0x7b: {  	_ =	shalt  }
0x7c: {  	_ =	shalt  }
0x7d: {  	_ =	shalt  }
0x7e: {  	_ =	shalt  }
0x7f: {  	_ =	shalt  }
0x80: {  	_ =	shalt  }
0x81: {  	_ =	shalt  }
0x82: {  	_ =	shalt  }
0x83: {  	_ =	shalt  }
0x84: {  	_ =	shalt  }
0x85: {  	_ =	shalt  }
0x86: {  	_ =	shalt  }
0x87: {  	_ =	shalt  }
.Lfunc_end0:
.L_simem_size_0:
called_computation.1_lowered:
.L_overlay_start_0:
0x88: {  	s2 =	sld [smem:$0x3FD9]  }
0x89: {  	s3 =	sld [smem:$0x3FFE];
	_ =	sdelay $0x1  }
0x8a: {  	s1 =	srdreg.scid  }
0x8b: {  	s0 =	sand.u32 $0x1, s1  }
0x8c: {  	s17 =	sshll.u32 s0, $0xA;
	s2 =	sadd.s32 s3, s2  }
0x8d: {  	s2 =	sadd.s32 s2, s17  }
0x8e: {  	[smem:$0x3FC0] =	sst s2  }
0x8f: {  	_ = 	snop  }
0x90: {  	s2 =	sld [smem:$0x3FD0];
	(tm) =	ssettm $0x1  }
0x91: {  	s18 =	sld [smem:$0x3FFB];
	_ =	sdelay $0x3  }
0x92: {  	_ =	strace s18  }
0x93: {  	s3 =	sld [smem:$0x3FFC];
	_ =	sdelay $0x3  }
0x94: {  	_ =	strace s3  }
0x95: {  	s3 =	sld [smem:$0x3FFD];
	_ =	sdelay $0x3  }
0x96: {  	_ =	strace s3  }
0x97: {  	_ =	strace $0x8FFFFFFF  }
0x98: {  	s19 =	sld [smem:$0x3FDB];
	_ =	sdelay $0x1  }
0x99: {  	s4 =	simm.s32 $_scs_section_size  }
0x9a: {  	s5 =	simm.s32 $_size__tile_overlayer_lowered;
	s6 =	simm.s32 $_tile_overlayer_lowered  }
0x9b: {  	s22 =	simm.s32 $0x1BFF;
	s21 =	sshll.u32 s6, $0x1;
	s3 =	sadd.s32 s4, s19  }
0x9c: {  	s7 =	simm.s32 $0x0;
	s20 =	sshll.u32 s5, $0x1;
	s5 =	sadd.s32 s21, s3  }
0x9d: {  	[timem:s7], [sflag:s22] =	dma.local [hbm:s5], s20  }
0x9e: {  	_ =	swait.ge [sflag:s22], s20  }
0x9f: {  	s4 =	ssub.s32 $0x0, s20;
	[sflag:s22] =	ssyncset.done $0x0  }
0xa0: {  	[sflag:s22] =	ssyncadd.s32 s4;
	_ =	sdelay $0x1  }
0xa1: {  	s23 =	simm.s32 $0x1B8B  }
0xa2: {  	_ =	swait.ge [sflag:s23], $0x1  }
0xa3: {  	[sflag:s23] =	ssyncset.done $0x0  }
0xa4: {  	s25 =	simm.s32 $0x1B8E;
	s24 =	sld [smem:$0x3FFE];
	[sflag:s23] =	ssyncadd.s32 $0xFFFFFFFF  }
0xa5: {  	s26 =	simm.s32 $execute0_lowered;
	[smem:$0x3FD2] =	sst s25  }
0xa6: {  	s5 =	sshll.u32 s26, $0x1;
	_ =	strace $0x80000046;
	[dreg:$0x1] =	wrdreg $0xFFFFFFFF  }
0xa7: {  	s28 =	simm.s32 $_size_execute0_lowered;
	s3 =	sadd.s32 s3, s5;
	[dreg:$0x0] =	wrdreg $0x0  }
0xa8: {  	s5 =	sshll.u32 s28, $0x1;
	[dreg:$0x2] =	wrdreg s3  }
0xa9: {  	[dreg:$0x3] =	wrdreg s5  }
0xaa: {  	[dreg:$0x4] =	wrdreg $0xC0  }
0xab: {  	_ =	task [dreg:s7], $0x5FFFF  }
0xac: {  	[dreg:$0x1] =	wrdreg $0xFFFFFFFF  }
0xad: {  	[dreg:$0x0] =	wrdreg $0x60  }
0xae: {  	[dreg:$0x2] =	wrdreg s2  }
0xaf: {  	[dreg:$0x3] =	wrdreg s24  }
0xb0: {  	[dreg:$0x4] =	wrdreg $0x38000  }
0xb1: {  	[dreg:$0x5] =	wrdreg $0x9  }
0xb2: {  	_ =	task.clear_ibuf [dreg:s7], $0x6FFFF;
	_ =	strace $0x90000046  }
0xb3: {  	s29 =	simm.s32 $0x9;
	_ =	strace $0x80000048  }
0xb4: {  	_ =	swait.ge [sflag:s29], $0x1  }
0xb5: {  	[sflag:s29] =	ssyncadd.s32 $0xFFFFFFFF  }
0xb6: {  	_ =	strace $0x90000048  }
0xb7: {  	_ =	sfence  }
0xb8: {  	s30 =	sld [smem:$0x0];
	_ =	sdelay $0x2  }
0xb9: {  	s31 =	sshll.u32 s1, $0xD;
	s1 =	sshrl.u32 s1, $0x2  }
0xba: {  	s3 =	sand.u32 $0x4000, s31;
	s1 =	sadd.s32 s1, s30  }
0xbb: {  	s0 =	sor.u32 s3, s0;
	s1 =	sshll.u32 s1, $0x11  }
0xbc: {  	s0 =	sor.u32 s1, s0  }
0xbd: {  	s0 =	sadd.s32 $0x8F2B, s0  }
0xbe: {  	[sflag:s0] =	ssyncadd.remote.s32 $0x1  }
0xbf: {  	_ =	sfence.sel $0xFFFF  }
0xc0: {  	[dreg:$0x0] =	wrdreg $0xFFFFFFFF;
	(pc) =	sbr.abs _section_cstart, $3  }
0xc1: {  	[dreg:$0x1] =	wrdreg $0xFFFFFFFF  }
0xc2: {  	_ =	task.clear_ibuf [dreg:s7], $0x2FFFF;
	_ =	strace $0x9FFFFFFF  }
0xc3: {  	(tm) =	ssettm $0x7FFFFFFF  }
tec
execute0_lowered:
.L_overlay_start_1:
0x0: {  	(tag) =	ssettag $0x1  }
0x1: {  	s4 =	rddreg [dreg:$0x0]  }
0x2: {  	s5 =	rddreg [dreg:$0x1]  }
0x3: {  	s0 =	srdreg.scid;
	s2 =	rddreg [dreg:$0x2]  }
0x4: {  	s1 =	rddreg [dreg:$0x3];
	s3 =	simm.s32 $0x0;
	s12 =	simm.s32 $0x1  }
0x5: {  	s13 =	simm.s32 $0x3000;
	s14 =	simm.s32 $0x80;
	s6 =	sand.u32 $0x1, s0  }
0x6: {  	s15 =	simm.s32 $0x2800;
	s0 =	stileid.u32;
	s7 =	smul.u32 $0x28000, s6  }
0x7: {  	s18 =	simm.s32 $0x0;
	[smem:$0x7FF] =	sst s3;
	s8 =	smul.u32 $0x2800, s0  }
0x8: {  	s9 =	smul.u32 $0xA000, s0;
	s6 =	ssub.s32 $0x2, s6;
	s16 =	sshll.u32 s0, $0x6  }
0x9: {  	_ =	strace $0x80000047;
	s31 =	sshrl.u32 s6, $0x1;
	s16 =	sor.u32 $0x1C01, s16  }
0xa: {  	s7 =	sadd.s32 s8, s7;
	s9 =	sshrl.u32 s9, $0x2;
	s11 =	ssub.s32 s6, s31  }
0xb: {  	s7 =	sshrl.u32 s7, $0x3;
	s9 =	sadd.s32 s9, s2;
	s11 =	smax.u32 s11, $0x1  }
0xc: {  	s10 =	sadd.s32 s7, s5;
	s4 =	sadd.s32 s4, s7;
	s5 =	sadd.s32 s8, s2  }
0xd: {  	s6 =	sadd.s32 $0x800, s9;
	s7 =	sadd.s32 $0x1000, s9;
	s8 =	sadd.s32 $0x1800, s9  }
0xe: {  	v0 =	vimm.f32 $1.000000000e+00;
	v1 =	vimm.f32 $0.0e+00;
	s9 =	sadd.s32 $0x2000, s9;
	s10 =	sadd.s32 $0x2000, s10;
	s17 =	sshrl.u32 s5, $0x3  }
.LBB2_1:
0xf: {  	[tilespmem:s3], [sflag:$0x1] =	stream.linear.gather [hbm4b:s4+s3], $0x2800, $0x38;
	[tilespmem:$0x6000] =	vst v63  }
0x10: {  	_ =	swait.ge [sflag:s12], $0x2800  }
0x11: {  	[sflag:s12] =	ssyncset.done $0x0  }
0x12: {  	s19 =	simm.s32 $0x40;
	s20 =	simm.s32 $0x0;
	[sflag:s12] =	ssyncadd.s32 $0xFFFFD800  }
.LBB2_2:
0x13: {  	p0 =	sne.s32 s19, $0x1FC0;
	[tilespmem:s20+$0x2800] =	vst v0;
	s21 =	smov.u32 s19;
	s19 =	sadd.s32 $0x40, s19  }
.Ltmp0:
0x14: {  	[tilespmem:s20+$0x3000] =	vst v1;
	(pc) =	sbr.rel @p0 .LBB2_2-.Ltmp0, $2  }
0x15: {  	_ =	sdelay $0x2  }
0x16: {  	s20 =	sshra.s32 s21, $0x2  }
0x17: {  	[tilespmem:s20+$0x2800] =	vst v0  }
0x18: {  	[tilespmem:s20+$0x3000] =	vst v1  }
0x19: {  	[spmem:s5] =	stream.linear.scatter [tilespmem:s13], [sflag:$0x1], $0x800, $0x38;
	[tilespmem:$0x6000] =	vst v63  }
0x1a: {  	_ =	swait.ge [sflag:s12], $0x800  }
0x1b: {  	[sflag:s12] =	ssyncset.done $0x0  }
0x1c: {  	[sflag:s12] =	ssyncadd.s32 $0xFFFFF800  }
0x1d: {  	[spmem:s6] =	stream.linear.scatter [tilespmem:s13], [sflag:$0x1], $0x800, $0x38;
	[tilespmem:$0x6000] =	vst v63  }
0x1e: {  	_ =	swait.ge [sflag:s12], $0x800  }
0x1f: {  	[sflag:s12] =	ssyncset.done $0x0  }
0x20: {  	[sflag:s12] =	ssyncadd.s32 $0xFFFFF800  }
0x21: {  	[spmem:s7] =	stream.linear.scatter [tilespmem:s13], [sflag:$0x1], $0x800, $0x38;
	[tilespmem:$0x6000] =	vst v63  }
0x22: {  	_ =	swait.ge [sflag:s12], $0x800  }
0x23: {  	[sflag:s12] =	ssyncset.done $0x0  }
0x24: {  	[sflag:s12] =	ssyncadd.s32 $0xFFFFF800  }
0x25: {  	[spmem:s8] =	stream.linear.scatter [tilespmem:s13], [sflag:$0x1], $0x800, $0x38;
	[tilespmem:$0x6000] =	vst v63  }
0x26: {  	_ =	swait.ge [sflag:s12], $0x800  }
0x27: {  	[sflag:s12] =	ssyncset.done $0x0  }
0x28: {  	[sflag:s12] =	ssyncadd.s32 $0xFFFFF800  }
0x29: {  	[spmem:s9] =	stream.linear.scatter [tilespmem:s13], [sflag:$0x1], $0x800, $0x38;
	[tilespmem:$0x6000] =	vst v63  }
0x2a: {  	_ =	swait.ge [sflag:s12], $0x800  }
0x2b: {  	[sflag:s12] =	ssyncset.done $0x0  }
0x2c: {  	[sflag:s12] =	ssyncadd.s32 $0xFFFFF800  }
0x2d: {  	s19 =	simm.s32 $0x0;
	[bflag:$0x0] =	sbarrier.arrive $0xFFFF  }
0x2e: {  	[spmem:s2] =	stream.indirect.scatter.add.f32 [tilespmem:s15], [sflag:$0x1], $0x10, s19, s14, $0xb8;
	[tilespmem:$0x6000] =	vst v63  }
0x2f: {  	_ =	swait.ge [sflag:s12], $0x800  }
0x30: {  	s19 =	simm.s32 $0x200;
	[sflag:s12] =	ssyncset.done $0x0  }
.LBB2_4:
0x31: {  	s20 =	sshra.s32 s19, $0x2;
	[sflag:s12] =	ssyncadd.s32 $0xFFFFF800;
	p0 =	sne.s32 s19, $0x9E00  }
0x32: {  	[spmem:s2] =	stream.indirect.scatter.add.f32 [tilespmem:s15], [sflag:$0x1], $0x10, s20, s14, $0xb8;
	[tilespmem:$0x6000] =	vst v63  }
.Ltmp1:
0x33: {  	_ = 	snop;
	(pc) =	sbr.rel @p0 .LBB2_4-.Ltmp1, $4  }
0x34: {  	_ = 	snop  }
0x35: {  	s19 =	sadd.s32 $0x200, s19  }
0x36: {  	_ =	swait.ge [sflag:s12], $0x800  }
0x37: {  	[sflag:s12] =	ssyncset.done $0x0  }
0x38: {  	s18 =	sadd.s32 $0x1, s18  }
0x39: {  	[sflag:s12] =	ssyncadd.s32 $0xFFFFF800;
	p0 =	sne.s32 s18, s11  }
.Ltmp2:
0x3a: {  	[bflag:$0x0] =	sbarrier.arrive $0xFFFF;
	(pc) =	sbr.rel @p0 .LBB2_1-.Ltmp2, $4  }
0x3b: {  	[hbm:s10], [sflag:s16] =	dma.local [spmem:s17], $0x500  }
0x3c: {  	_ =	swait.ge [sflag:s12], $0x500  }
0x3d: {  	[sflag:s12] =	ssyncset.done $0x0  }
0x3e: {  	[sflag:s12] =	ssyncadd.s32 $0xFFFFFB00  }
0x3f: {  	_ =	sfence.sel $0x180000  }
0x40: {  	[bflag:$0x0] =	sbarrier.arrive $0xFFFF  }
0x41: {  	p0 =	sne.s32 s0, $0x0;
	_ =	strace $0x90000047  }
0x42: {  	s0 =	sadd.s32 @!p0 $0x100000, s1;
	[bflag:$0x2] =	sbarrier.arrive $0xFFFF  }
0x43: {  	[sflag:s0] =	ssyncadd.tile.s32 @!p0 $0x1;
	_ =	shalt  }
.Lfunc_end2:
_tile_overlayer_lowered:
.L_overlay_start_2:
0x44: {  	(tag) =	ssettag $0x2  }
0x45: {  	s0 =	rddreg [dreg:$0x0];
	s2 =	stileid.u32  }
0x46: {  	s1 =	rddreg [dreg:$0x1];
	p0 =	sne.s32 s2, $0x0  }
0x47: {  	s3 =	rddreg [dreg:$0x2];
	[bflag:$0x3] =	sbarrier.arrive $0xFFFF;
	s2 =	simm.s32 @!p0 $0x1C01  }
0x48: {  	[timem:s3], [sflag:s2] =	dma.local @!p0 [hbm:s0], s1  }
0x49: {  	s0 =	simm.s32 @!p0 $0x1  }
0x4a: {  	_ =	swait.ge @!p0 [sflag:s0], s1  }
0x4b: {  	s1 =	ssub.s32 @!p0 $0x0, s1;
	[sflag:s0] =	ssyncset.done @!p0 $0x0  }
0x4c: {  	[sflag:s0] =	ssyncadd.s32 @!p0 s1  }
0x4d: {  	[bflag:$0x3] =	sbarrier.arrive $0xFFFF  }
0x4e: {  	_ =	shalt  }

</sc_bundles>
